<compile_context>
chip_gen: v7x
topology: tpu7x:2x2x1
jax: 0.10.2.dev20260603
libtpu: 0.0.44.dev20260713+nightly
codegen_flags: <defaults>
</compile_context>

<pallas_src>
import functools

import jax
import jax.numpy as jnp
from jax import lax
from jax.experimental import pallas as pl
from jax.experimental.pallas import tpu as pltpu
from jax.experimental.pallas import tpu_sc as plsc

E = 1_600_000
N = 50_000
D_EDGE = 16
D_NODE = 128
D_IN = 272
D_OUT = 128

HALF = E * D_EDGE // 2
J_TOTAL = E // 128
J_TC_SPLIT = 8_500
J_PER_W = (J_TOTAL - J_TC_SPLIT) // 16
FLAT_PER_W = J_PER_W * 1024
JB = 25
CHUNK = JB * 1024
NCHUNKS = FLAT_PER_W // CHUNK

_SC_MESH = plsc.VectorSubcoreMesh(core_axis_name="c", subcore_axis_name="s")


@functools.partial(
    pl.kernel,
    out_type=jax.ShapeDtypeStruct((32, 128), jnp.float32),
    mesh=_SC_MESH,
    scratch_types=[
        pltpu.VMEM((CHUNK,), jnp.float32),
        pltpu.VMEM((CHUNK,), jnp.float32),
        pltpu.VMEM((128,), jnp.float32),
        pltpu.SemaphoreType.DMA,
        pltpu.SemaphoreType.DMA,
    ],
)
def _sc_edge(edge_hbm, out_hbm, eb0, eb1, accbuf, sem0, sem1):
    wid = lax.axis_index("s") * 2 + lax.axis_index("c")
    t = wid // 16
    w16 = wid % 16
    base = t * HALF + J_TC_SPLIT * 1024 + w16 * FLAT_PER_W

    pltpu.async_copy(edge_hbm.at[pl.ds(base, CHUNK)], eb0, sem0)
    pltpu.async_copy(edge_hbm.at[pl.ds(base + CHUNK, CHUNK)], eb1, sem1)

    zero = jnp.zeros((16,), jnp.float32)

    def outer(m, acc):
        for b, (eb, sem) in enumerate(((eb0, sem0), (eb1, sem1))):
            idx = m * 2 + b
            pltpu.make_async_copy(
                edge_hbm.at[pl.ds(base, CHUNK)], eb, sem
            ).wait()

            def inner(jj, acc):
                new = []
                for k in range(8):
                    a = acc[k]
                    for q in range(8):
                        a = a + eb[pl.ds(jj * 1024 + k * 128 + q * 16, 16)]
                    new.append(a)
                return tuple(new)

            acc = lax.fori_loop(0, JB, inner, acc)

            @pl.when(idx + 2 < NCHUNKS)
            def _start_next():
                pltpu.async_copy(
                    edge_hbm.at[pl.ds(base + (idx + 2) * CHUNK, CHUNK)], eb, sem
                )

        return acc

    acc = lax.fori_loop(0, NCHUNKS // 2, outer, (zero,) * 8)
    for k in range(8):
        accbuf[pl.ds(k * 16, 16)] = acc[k]
    pltpu.sync_copy(accbuf, out_hbm.at[wid])


G = 50
BN = N // G
EW = J_TC_SPLIT * 128 // G
AN = 40
AE = 1280


def _tc_body(node_ref, edge_ref, out_ref, acc_n, acc_e):
    i = pl.program_id(0)

    @pl.when(i == 0)
    def _init():
        acc_n[...] = jnp.zeros_like(acc_n)
        acc_e[...] = jnp.zeros_like(acc_e)

    eb = edge_ref[...]
    ae = acc_e[...]
    for k in range(EW // AE):
        ae = ae + eb[:, k * AE:(k + 1) * AE]
    acc_e[...] = ae

    nb = node_ref[...]
    an = acc_n[...]
    for k in range(BN // AN):
        an = an + nb[k * AN:(k + 1) * AN, :]
    acc_n[...] = an

    @pl.when(i == G - 1)
    def _final():
        n128 = jnp.sum(acc_n[...], axis=0, keepdims=True)
        te2 = jnp.sum(acc_e[...].reshape(D_EDGE, AE // 128, 128), axis=1)
        ones_r = jnp.ones((1, 128), jnp.float32)
        te_row = jax.lax.dot_general(
            ones_r, te2, (((1,), (1,)), ((), ())),
            preferred_element_type=jnp.float32,
        )
        out_ref[0:1, :D_EDGE] = te_row
        out_ref[1:2, :] = n128


def _tc_combine_body(part_ref, main_ref, glob_ref, w_ref, b_ref, out_ref):
    p = part_ref[...]
    s0 = jnp.sum(p[:16, :], axis=0, keepdims=True)
    s1 = jnp.sum(p[16:, :], axis=0, keepdims=True)
    i_idx = jax.lax.broadcasted_iota(jnp.int32, (128, D_EDGE), 0)
    f_idx = jax.lax.broadcasted_iota(jnp.int32, (128, D_EDGE), 1)
    fold0 = (i_idx // 16 == f_idx).astype(jnp.float32)
    fold1 = (i_idx // 16 == f_idx - 8).astype(jnp.float32)
    mm = (((1,), (0,)), ((), ()))
    e16 = (
        jax.lax.dot_general(s0, fold0, mm, preferred_element_type=jnp.float32)
        + jax.lax.dot_general(s1, fold1, mm, preferred_element_type=jnp.float32)
        + main_ref[0:1, :D_EDGE]
    )
    x = jnp.concatenate(
        [e16 * (1.0 / E),
         main_ref[1:2, :] * (1.0 / N),
         glob_ref[...]],
        axis=1,
    )
    out_ref[...] = jax.lax.dot_general(
        x, w_ref[...], (((1,), (0,)), ((), ())),
        preferred_element_type=jnp.float32,
    ) + b_ref[...]


def kernel(edge_attrs, node_attrs, global_attr, W, b):
    edge_4d = edge_attrs.T.reshape(2, 8, J_TOTAL, 128).transpose(0, 2, 1, 3)
    edge_flat = edge_4d.reshape(-1)
    partials = _sc_edge(edge_flat)

    edge_t = edge_attrs.T
    main = pl.pallas_call(
        _tc_body,
        grid=(G,),
        in_specs=[
            pl.BlockSpec((BN, D_NODE), lambda i: (i, 0)),
            pl.BlockSpec((D_EDGE, EW), lambda i: (0, i)),
        ],
        out_specs=pl.BlockSpec((2, D_NODE), lambda i: (0, 0)),
        out_shape=jax.ShapeDtypeStruct((2, D_NODE), jnp.float32),
        scratch_shapes=[
            pltpu.VMEM((AN, D_NODE), jnp.float32),
            pltpu.VMEM((D_EDGE, AE), jnp.float32),
        ],
    )(node_attrs, edge_t)

    glob2 = global_attr.reshape(1, D_NODE)
    b2 = b.reshape(1, D_OUT)
    out = pl.pallas_call(
        _tc_combine_body,
        out_shape=jax.ShapeDtypeStruct((1, D_OUT), jnp.float32),
    )(partials, main, glob2, W, b2)
    return out.reshape(D_OUT)

# --- scband reference (transcript-rebuilt; emitter-appended) ---
"""Pipeline reference for scband-global-block-77524159693414 (READ-ONLY COPY).

The authoritative reference and input builder live on the scoring server;
editing this copy changes nothing except your own understanding.
"""

import jax, jax.numpy as jnp
import numpy as np

E = 1_600_000
N = 50_000
D_EDGE = 16
D_NODE = 128
D_GLOBAL = 128
D_IN = D_EDGE + D_NODE + D_GLOBAL  # 272
D_OUT = 128


def setup_inputs(seed: int = 0) -> dict:
    key = jax.random.key(seed)
    k1, k2, k3, k4 = jax.random.split(key, 4)
    edge_attrs = jax.random.normal(k1, (E, D_EDGE), dtype=jnp.float32)
    node_attrs = jax.random.normal(k2, (N, D_NODE), dtype=jnp.float32)
    global_attr = jax.random.normal(k3, (D_GLOBAL,), dtype=jnp.float32)
    # learned updater params (nn.Linear(272, 128))
    W = jax.random.normal(k4, (D_IN, D_OUT), dtype=jnp.float32) * (1.0 / np.sqrt(D_IN))
    b = jnp.zeros((D_OUT,), dtype=jnp.float32)
    return {"edge_attrs": edge_attrs, "node_attrs": node_attrs, "global_attr": global_attr, "W": W, "b": b}


def reference(edge_attrs, node_attrs, global_attr, W, b):
    # MeanAggregator over all edges: stacking the list of per-edge data and
    # taking the mean is equivalent to mean over axis 0 of the dense tensor.
    aggregated_edge_attrs = jnp.mean(edge_attrs, axis=0)  # [D_EDGE]
    aggregated_node_attrs = jnp.mean(node_attrs, axis=0)  # [D_NODE]
    x = jnp.concatenate([aggregated_edge_attrs, aggregated_node_attrs, global_attr], axis=0)  # [D_IN]
    # updater: Linear(D_IN -> D_OUT)
    out = x @ W + b  # [D_OUT]
    return out

if __name__ == "__main__":
    import jax
    _d = setup_inputs()
    print(jax.jit(kernel)(*tuple(_d.values())))

</pallas_src>

<mosaic_0001>
#map = affine_map<(d0, d1) -> (0)>
#map1 = affine_map<(d0, d1) -> (0, 0)>
module attributes {stable_mosaic.version = 14 : i64} {
  func.func @_sc_edge(%arg0: i32, %arg1: i32, %arg2: memref<25600000xf32, #tpu.memory_space<hbm>>, %arg3: memref<32x128xf32, #tpu.memory_space<hbm>>, %arg4: memref<25600xf32, #tpu.memory_space<vmem>>, %arg5: memref<25600xf32, #tpu.memory_space<vmem>>, %arg6: memref<128xf32, #tpu.memory_space<vmem>>, %arg7: memref<!tpu.dma_semaphore, #tpu.memory_space<semaphore_mem>>, %arg8: memref<!tpu.dma_semaphore, #tpu.memory_space<semaphore_mem>>) attributes {dimension_semantics = [#tpu.dimension_semantics<core_parallel>, #tpu.dimension_semantics<subcore_parallel>], iteration_bounds = array<i64: 2, 16>, scalar_prefetch = 0 : i64, scratch_operands = 5 : i64, tpu.core_type = #tpu.core_type<sc_vector_subcore>, window_params = [{transform_indices = #map}, {transform_indices = #map1}]} {
    %mul3A = arith.constant 2 : i32
    %mul3A_0 = arith.muli %arg1, %mul3A : i32
    %add3A = arith.addi %mul3A_0, %arg0 : i32
    %jit3A = arith.constant 16 : i32
    %div3A = arith.divsi %add3A, %jit3A : i32
    %sign3A = arith.constant 0 : i32
    %sign3A_1 = arith.cmpi sgt, %add3A, %sign3A : i32
    %sign3A_2 = arith.extui %sign3A_1 : i1 to i32
    %sign3A_3 = arith.constant 0 : i32
    %sign3A_4 = arith.cmpi slt, %add3A, %sign3A_3 : i32
    %sign3A_5 = arith.extui %sign3A_4 : i1 to i32
    %sign3A_6 = arith.subi %sign3A_2, %sign3A_5 : i32
    %sign3A_7 = arith.constant 0 : i32
    %sign3A_8 = arith.cmpi sgt, %jit3A, %sign3A_7 : i32
    %sign3A_9 = arith.extui %sign3A_8 : i1 to i32
    %sign3A_10 = arith.constant 0 : i32
    %sign3A_11 = arith.cmpi slt, %jit3A, %sign3A_10 : i32
    %sign3A_12 = arith.extui %sign3A_11 : i1 to i32
    %sign3A_13 = arith.subi %sign3A_9, %sign3A_12 : i32
    %ne3A = arith.cmpi ne, %sign3A_6, %sign3A_13 : i32
    %rem3A = arith.remsi %add3A, %jit3A : i32
    %ne3A_14 = arith.constant 0 : i32
    %ne3A_15 = arith.cmpi ne, %rem3A, %ne3A_14 : i32
    %and3A = arith.andi %ne3A, %ne3A_15 : i1
    %sub3A = arith.constant 1 : i32
    %sub3A_16 = arith.subi %div3A, %sub3A : i32
    %select_n3A = arith.select %and3A, %sub3A_16, %div3A : i32
    %jit3A_17 = arith.constant 16 : i32
    %eq3A = arith.constant 0 : i32
    %eq3A_18 = arith.cmpi eq, %jit3A_17, %eq3A : i32
    %jit3A_19 = arith.constant 1 : i32
    %select_n3A_20 = arith.select %eq3A_18, %jit3A_19, %jit3A_17 : i32
    %rem3A_21 = arith.remsi %add3A, %select_n3A_20 : i32
    %ne3A_22 = arith.constant 0 : i32
    %ne3A_23 = arith.cmpi ne, %rem3A_21, %ne3A_22 : i32
    %lt3A = arith.constant 0 : i32
    %lt3A_24 = arith.cmpi slt, %rem3A_21, %lt3A : i32
    %lt3A_25 = arith.constant 0 : i32
    %lt3A_26 = arith.cmpi slt, %select_n3A_20, %lt3A_25 : i32
    %ne3A_27 = arith.xori %lt3A_24, %lt3A_26 : i1
    %and3A_28 = arith.andi %ne3A_27, %ne3A_23 : i1
    %add3A_29 = arith.addi %rem3A_21, %select_n3A_20 : i32
    %select_n3A_30 = arith.select %and3A_28, %add3A_29, %rem3A_21 : i32
    %mul3A_31 = arith.constant 12800000 : i32
    %mul3A_32 = arith.muli %select_n3A, %mul3A_31 : i32
    %add3A_33 = arith.constant 8704000 : i32
    %add3A_34 = arith.addi %mul3A_32, %add3A_33 : i32
    %mul3A_35 = arith.constant 256000 : i32
    %mul3A_36 = arith.muli %select_n3A_30, %mul3A_35 : i32
    %add3A_37 = arith.addi %add3A_34, %mul3A_36 : i32
    %dma_start3A = tpu.memref_slice %arg2[%add3A_37] : memref<25600000xf32, #tpu.memory_space<hbm>> -> memref<25600xf32, #tpu.memory_space<hbm>>
    %dma_start3A_38 = tpu.memref_slice %arg2[%add3A_37] : memref<25600000xf32, #tpu.memory_space<hbm>> -> memref<25600xf32, #tpu.memory_space<hbm>>
    tpu.enqueue_dma source(%dma_start3A_38 : memref<25600xf32, #tpu.memory_space<hbm>>) target(%arg4 : memref<25600xf32, #tpu.memory_space<vmem>>) target_semaphore(%arg7 : memref<!tpu.dma_semaphore, #tpu.memory_space<semaphore_mem>>)
    %add3A_39 = arith.constant 25600 : i32
    %add3A_40 = arith.addi %add3A_37, %add3A_39 : i32
    %dma_start3A_41 = tpu.memref_slice %arg2[%add3A_40] : memref<25600000xf32, #tpu.memory_space<hbm>> -> memref<25600xf32, #tpu.memory_space<hbm>>
    %dma_start3A_42 = tpu.memref_slice %arg2[%add3A_40] : memref<25600000xf32, #tpu.memory_space<hbm>> -> memref<25600xf32, #tpu.memory_space<hbm>>
    tpu.enqueue_dma source(%dma_start3A_42 : memref<25600xf32, #tpu.memory_space<hbm>>) target(%arg5 : memref<25600xf32, #tpu.memory_space<vmem>>) target_semaphore(%arg8 : memref<!tpu.dma_semaphore, #tpu.memory_space<semaphore_mem>>)
    %broadcast_in_dim3A = arith.constant 0.000000e+00 : f32
    %broadcast_in_dim3A_43 = vector.broadcast %broadcast_in_dim3A : f32 to vector<16xf32>
    %scan3A = arith.constant 0 : i32
    %scan3A_44 = arith.constant 5 : i32
    %scan3A_45 = arith.addi %scan3A, %scan3A_44 : i32
    %scan3A_46 = arith.constant 1 : i32
    %scan3A_47:8 = scf.for %scan3A_80 = %scan3A to %scan3A_45 step %scan3A_46 iter_args(%scan3A_81 = %broadcast_in_dim3A_43, %scan3A_82 = %broadcast_in_dim3A_43, %scan3A_83 = %broadcast_in_dim3A_43, %scan3A_84 = %broadcast_in_dim3A_43, %scan3A_85 = %broadcast_in_dim3A_43, %scan3A_86 = %broadcast_in_dim3A_43, %scan3A_87 = %broadcast_in_dim3A_43, %scan3A_88 = %broadcast_in_dim3A_43) -> (vector<16xf32>, vector<16xf32>, vector<16xf32>, vector<16xf32>, vector<16xf32>, vector<16xf32>, vector<16xf32>, vector<16xf32>)  : i32 {
      %mul3A_89 = arith.constant 2 : i32
      %mul3A_90 = arith.muli %scan3A_80, %mul3A_89 : i32
      %add3A_91 = arith.constant 0 : i32
      %add3A_92 = arith.addi %mul3A_90, %add3A_91 : i32
      %dma_wait3A = tpu.memref_slice %arg2[%add3A_37] : memref<25600000xf32, #tpu.memory_space<hbm>> -> memref<25600xf32, #tpu.memory_space<hbm>>
      %dma_wait3A_93 = tpu.memref_slice %arg2[%add3A_37] : memref<25600000xf32, #tpu.memory_space<hbm>> -> memref<25600xf32, #tpu.memory_space<hbm>>
      tpu.wait_dma2 semaphore(%arg7 : memref<!tpu.dma_semaphore, #tpu.memory_space<semaphore_mem>>) src(%dma_wait3A_93 : memref<25600xf32, #tpu.memory_space<hbm>>) dst(%arg4 : memref<25600xf32, #tpu.memory_space<vmem>>)
      %scan3A_94 = arith.constant 0 : i32
      %scan3A_95 = arith.constant 25 : i32
      %scan3A_96 = arith.addi %scan3A_94, %scan3A_95 : i32
      %scan3A_97 = arith.constant 1 : i32
      %scan3A_98:8 = scf.for %scan3A_124 = %scan3A_94 to %scan3A_96 step %scan3A_97 iter_args(%scan3A_125 = %scan3A_81, %scan3A_126 = %scan3A_82, %scan3A_127 = %scan3A_83, %scan3A_128 = %scan3A_84, %scan3A_129 = %scan3A_85, %scan3A_130 = %scan3A_86, %scan3A_131 = %scan3A_87, %scan3A_132 = %scan3A_88) -> (vector<16xf32>, vector<16xf32>, vector<16xf32>, vector<16xf32>, vector<16xf32>, vector<16xf32>, vector<16xf32>, vector<16xf32>)  : i32 {
        %mul3A_133 = arith.constant 1024 : i32
        %mul3A_134 = arith.muli %scan3A_124, %mul3A_133 : i32
        %add3A_135 = arith.constant 0 : i32
        %add3A_136 = arith.addi %mul3A_134, %add3A_135 : i32
        %add3A_137 = arith.constant 0 : i32
        %add3A_138 = arith.addi %add3A_136, %add3A_137 : i32
        %get3A = arith.index_cast %add3A_138 : i32 to index
        %get3A_139 = tpu.vector_load %arg4[%get3A] {strides = array<i32>} : memref<25600xf32, #tpu.memory_space<vmem>>, vector<16xf32>,
        %get3A_140 = vector.shape_cast %get3A_139 : vector<16xf32> to vector<16xf32>
        %add3A_141 = arith.addf %scan3A_125, %get3A_140 : vector<16xf32>
        %mul3A_142 = arith.constant 1024 : i32
        %mul3A_143 = arith.muli %scan3A_124, %mul3A_142 : i32
        %add3A_144 = arith.constant 0 : i32
        %add3A_145 = arith.addi %mul3A_143, %add3A_144 : i32
        %add3A_146 = arith.constant 16 : i32
        %add3A_147 = arith.addi %add3A_145, %add3A_146 : i32
        %get3A_148 = arith.index_cast %add3A_147 : i32 to index
        %get3A_149 = tpu.vector_load %arg4[%get3A_148] {strides = array<i32>} : memref<25600xf32, #tpu.memory_space<vmem>>, vector<16xf32>,
        %get3A_150 = vector.shape_cast %get3A_149 : vector<16xf32> to vector<16xf32>
        %add3A_151 = arith.addf %add3A_141, %get3A_150 : vector<16xf32>
        %mul3A_152 = arith.constant 1024 : i32
        %mul3A_153 = arith.muli %scan3A_124, %mul3A_152 : i32
        %add3A_154 = arith.constant 0 : i32
        %add3A_155 = arith.addi %mul3A_153, %add3A_154 : i32
        %add3A_156 = arith.constant 32 : i32
        %add3A_157 = arith.addi %add3A_155, %add3A_156 : i32
        %get3A_158 = arith.index_cast %add3A_157 : i32 to index
        %get3A_159 = tpu.vector_load %arg4[%get3A_158] {strides = array<i32>} : memref<25600xf32, #tpu.memory_space<vmem>>, vector<16xf32>,
        %get3A_160 = vector.shape_cast %get3A_159 : vector<16xf32> to vector<16xf32>
        %add3A_161 = arith.addf %add3A_151, %get3A_160 : vector<16xf32>
        %mul3A_162 = arith.constant 1024 : i32
        %mul3A_163 = arith.muli %scan3A_124, %mul3A_162 : i32
        %add3A_164 = arith.constant 0 : i32
        %add3A_165 = arith.addi %mul3A_163, %add3A_164 : i32
        %add3A_166 = arith.constant 48 : i32
        %add3A_167 = arith.addi %add3A_165, %add3A_166 : i32
        %get3A_168 = arith.index_cast %add3A_167 : i32 to index
        %get3A_169 = tpu.vector_load %arg4[%get3A_168] {strides = array<i32>} : memref<25600xf32, #tpu.memory_space<vmem>>, vector<16xf32>,
        %get3A_170 = vector.shape_cast %get3A_169 : vector<16xf32> to vector<16xf32>
        %add3A_171 = arith.addf %add3A_161, %get3A_170 : vector<16xf32>
        %mul3A_172 = arith.constant 1024 : i32
        %mul3A_173 = arith.muli %scan3A_124, %mul3A_172 : i32
        %add3A_174 = arith.constant 0 : i32
        %add3A_175 = arith.addi %mul3A_173, %add3A_174 : i32
        %add3A_176 = arith.constant 64 : i32
        %add3A_177 = arith.addi %add3A_175, %add3A_176 : i32
        %get3A_178 = arith.index_cast %add3A_177 : i32 to index
        %get3A_179 = tpu.vector_load %arg4[%get3A_178] {strides = array<i32>} : memref<25600xf32, #tpu.memory_space<vmem>>, vector<16xf32>,
        %get3A_180 = vector.shape_cast %get3A_179 : vector<16xf32> to vector<16xf32>
        %add3A_181 = arith.addf %add3A_171, %get3A_180 : vector<16xf32>
        %mul3A_182 = arith.constant 1024 : i32
        %mul3A_183 = arith.muli %scan3A_124, %mul3A_182 : i32
        %add3A_184 = arith.constant 0 : i32
        %add3A_185 = arith.addi %mul3A_183, %add3A_184 : i32
        %add3A_186 = arith.constant 80 : i32
        %add3A_187 = arith.addi %add3A_185, %add3A_186 : i32
        %get3A_188 = arith.index_cast %add3A_187 : i32 to index
        %get3A_189 = tpu.vector_load %arg4[%get3A_188] {strides = array<i32>} : memref<25600xf32, #tpu.memory_space<vmem>>, vector<16xf32>,
        %get3A_190 = vector.shape_cast %get3A_189 : vector<16xf32> to vector<16xf32>
        %add3A_191 = arith.addf %add3A_181, %get3A_190 : vector<16xf32>
        %mul3A_192 = arith.constant 1024 : i32
        %mul3A_193 = arith.muli %scan3A_124, %mul3A_192 : i32
        %add3A_194 = arith.constant 0 : i32
        %add3A_195 = arith.addi %mul3A_193, %add3A_194 : i32
        %add3A_196 = arith.constant 96 : i32
        %add3A_197 = arith.addi %add3A_195, %add3A_196 : i32
        %get3A_198 = arith.index_cast %add3A_197 : i32 to index
        %get3A_199 = tpu.vector_load %arg4[%get3A_198] {strides = array<i32>} : memref<25600xf32, #tpu.memory_space<vmem>>, vector<16xf32>,
        %get3A_200 = vector.shape_cast %get3A_199 : vector<16xf32> to vector<16xf32>
        %add3A_201 = arith.addf %add3A_191, %get3A_200 : vector<16xf32>
        %mul3A_202 = arith.constant 1024 : i32
        %mul3A_203 = arith.muli %scan3A_124, %mul3A_202 : i32
        %add3A_204 = arith.constant 0 : i32
        %add3A_205 = arith.addi %mul3A_203, %add3A_204 : i32
        %add3A_206 = arith.constant 112 : i32
        %add3A_207 = arith.addi %add3A_205, %add3A_206 : i32
        %get3A_208 = arith.index_cast %add3A_207 : i32 to index
        %get3A_209 = tpu.vector_load %arg4[%get3A_208] {strides = array<i32>} : memref<25600xf32, #tpu.memory_space<vmem>>, vector<16xf32>,
        %get3A_210 = vector.shape_cast %get3A_209 : vector<16xf32> to vector<16xf32>
        %add3A_211 = arith.addf %add3A_201, %get3A_210 : vector<16xf32>
        %mul3A_212 = arith.constant 1024 : i32
        %mul3A_213 = arith.muli %scan3A_124, %mul3A_212 : i32
        %add3A_214 = arith.constant 128 : i32
        %add3A_215 = arith.addi %mul3A_213, %add3A_214 : i32
        %add3A_216 = arith.constant 0 : i32
        %add3A_217 = arith.addi %add3A_215, %add3A_216 : i32
        %get3A_218 = arith.index_cast %add3A_217 : i32 to index
        %get3A_219 = tpu.vector_load %arg4[%get3A_218] {strides = array<i32>} : memref<25600xf32, #tpu.memory_space<vmem>>, vector<16xf32>,
        %get3A_220 = vector.shape_cast %get3A_219 : vector<16xf32> to vector<16xf32>
        %add3A_221 = arith.addf %scan3A_126, %get3A_220 : vector<16xf32>
        %mul3A_222 = arith.constant 1024 : i32
        %mul3A_223 = arith.muli %scan3A_124, %mul3A_222 : i32
        %add3A_224 = arith.constant 128 : i32
        %add3A_225 = arith.addi %mul3A_223, %add3A_224 : i32
        %add3A_226 = arith.constant 16 : i32
        %add3A_227 = arith.addi %add3A_225, %add3A_226 : i32
        %get3A_228 = arith.index_cast %add3A_227 : i32 to index
        %get3A_229 = tpu.vector_load %arg4[%get3A_228] {strides = array<i32>} : memref<25600xf32, #tpu.memory_space<vmem>>, vector<16xf32>,
        %get3A_230 = vector.shape_cast %get3A_229 : vector<16xf32> to vector<16xf32>
        %add3A_231 = arith.addf %add3A_221, %get3A_230 : vector<16xf32>
        %mul3A_232 = arith.constant 1024 : i32
        %mul3A_233 = arith.muli %scan3A_124, %mul3A_232 : i32
        %add3A_234 = arith.constant 128 : i32
        %add3A_235 = arith.addi %mul3A_233, %add3A_234 : i32
        %add3A_236 = arith.constant 32 : i32
        %add3A_237 = arith.addi %add3A_235, %add3A_236 : i32
        %get3A_238 = arith.index_cast %add3A_237 : i32 to index
        %get3A_239 = tpu.vector_load %arg4[%get3A_238] {strides = array<i32>} : memref<25600xf32, #tpu.memory_space<vmem>>, vector<16xf32>,
        %get3A_240 = vector.shape_cast %get3A_239 : vector<16xf32> to vector<16xf32>
        %add3A_241 = arith.addf %add3A_231, %get3A_240 : vector<16xf32>
        %mul3A_242 = arith.constant 1024 : i32
        %mul3A_243 = arith.muli %scan3A_124, %mul3A_242 : i32
        %add3A_244 = arith.constant 128 : i32
        %add3A_245 = arith.addi %mul3A_243, %add3A_244 : i32
        %add3A_246 = arith.constant 48 : i32
        %add3A_247 = arith.addi %add3A_245, %add3A_246 : i32
        %get3A_248 = arith.index_cast %add3A_247 : i32 to index
        %get3A_249 = tpu.vector_load %arg4[%get3A_248] {strides = array<i32>} : memref<25600xf32, #tpu.memory_space<vmem>>, vector<16xf32>,
        %get3A_250 = vector.shape_cast %get3A_249 : vector<16xf32> to vector<16xf32>
        %add3A_251 = arith.addf %add3A_241, %get3A_250 : vector<16xf32>
        %mul3A_252 = arith.constant 1024 : i32
        %mul3A_253 = arith.muli %scan3A_124, %mul3A_252 : i32
        %add3A_254 = arith.constant 128 : i32
        %add3A_255 = arith.addi %mul3A_253, %add3A_254 : i32
        %add3A_256 = arith.constant 64 : i32
        %add3A_257 = arith.addi %add3A_255, %add3A_256 : i32
        %get3A_258 = arith.index_cast %add3A_257 : i32 to index
        %get3A_259 = tpu.vector_load %arg4[%get3A_258] {strides = array<i32>} : memref<25600xf32, #tpu.memory_space<vmem>>, vector<16xf32>,
        %get3A_260 = vector.shape_cast %get3A_259 : vector<16xf32> to vector<16xf32>
        %add3A_261 = arith.addf %add3A_251, %get3A_260 : vector<16xf32>
        %mul3A_262 = arith.constant 1024 : i32
        %mul3A_263 = arith.muli %scan3A_124, %mul3A_262 : i32
        %add3A_264 = arith.constant 128 : i32
        %add3A_265 = arith.addi %mul3A_263, %add3A_264 : i32
        %add3A_266 = arith.constant 80 : i32
        %add3A_267 = arith.addi %add3A_265, %add3A_266 : i32
        %get3A_268 = arith.index_cast %add3A_267 : i32 to index
        %get3A_269 = tpu.vector_load %arg4[%get3A_268] {strides = array<i32>} : memref<25600xf32, #tpu.memory_space<vmem>>, vector<16xf32>,
        %get3A_270 = vector.shape_cast %get3A_269 : vector<16xf32> to vector<16xf32>
        %add3A_271 = arith.addf %add3A_261, %get3A_270 : vector<16xf32>
        %mul3A_272 = arith.constant 1024 : i32
        %mul3A_273 = arith.muli %scan3A_124, %mul3A_272 : i32
        %add3A_274 = arith.constant 128 : i32
        %add3A_275 = arith.addi %mul3A_273, %add3A_274 : i32
        %add3A_276 = arith.constant 96 : i32
        %add3A_277 = arith.addi %add3A_275, %add3A_276 : i32
        %get3A_278 = arith.index_cast %add3A_277 : i32 to index
        %get3A_279 = tpu.vector_load %arg4[%get3A_278] {strides = array<i32>} : memref<25600xf32, #tpu.memory_space<vmem>>, vector<16xf32>,
        %get3A_280 = vector.shape_cast %get3A_279 : vector<16xf32> to vector<16xf32>
        %add3A_281 = arith.addf %add3A_271, %get3A_280 : vector<16xf32>
        %mul3A_282 = arith.constant 1024 : i32
        %mul3A_283 = arith.muli %scan3A_124, %mul3A_282 : i32
        %add3A_284 = arith.constant 128 : i32
        %add3A_285 = arith.addi %mul3A_283, %add3A_284 : i32
        %add3A_286 = arith.constant 112 : i32
        %add3A_287 = arith.addi %add3A_285, %add3A_286 : i32
        %get3A_288 = arith.index_cast %add3A_287 : i32 to index
        %get3A_289 = tpu.vector_load %arg4[%get3A_288] {strides = array<i32>} : memref<25600xf32, #tpu.memory_space<vmem>>, vector<16xf32>,
        %get3A_290 = vector.shape_cast %get3A_289 : vector<16xf32> to vector<16xf32>
        %add3A_291 = arith.addf %add3A_281, %get3A_290 : vector<16xf32>
        %mul3A_292 = arith.constant 1024 : i32
        %mul3A_293 = arith.muli %scan3A_124, %mul3A_292 : i32
        %add3A_294 = arith.constant 256 : i32
        %add3A_295 = arith.addi %mul3A_293, %add3A_294 : i32
        %add3A_296 = arith.constant 0 : i32
        %add3A_297 = arith.addi %add3A_295, %add3A_296 : i32
        %get3A_298 = arith.index_cast %add3A_297 : i32 to index
        %get3A_299 = tpu.vector_load %arg4[%get3A_298] {strides = array<i32>} : memref<25600xf32, #tpu.memory_space<vmem>>, vector<16xf32>,
        %get3A_300 = vector.shape_cast %get3A_299 : vector<16xf32> to vector<16xf32>
        %add3A_301 = arith.addf %scan3A_127, %get3A_300 : vector<16xf32>
        %mul3A_302 = arith.constant 1024 : i32
        %mul3A_303 = arith.muli %scan3A_124, %mul3A_302 : i32
        %add3A_304 = arith.constant 256 : i32
        %add3A_305 = arith.addi %mul3A_303, %add3A_304 : i32
        %add3A_306 = arith.constant 16 : i32
        %add3A_307 = arith.addi %add3A_305, %add3A_306 : i32
        %get3A_308 = arith.index_cast %add3A_307 : i32 to index
        %get3A_309 = tpu.vector_load %arg4[%get3A_308] {strides = array<i32>} : memref<25600xf32, #tpu.memory_space<vmem>>, vector<16xf32>,
        %get3A_310 = vector.shape_cast %get3A_309 : vector<16xf32> to vector<16xf32>
        %add3A_311 = arith.addf %add3A_301, %get3A_310 : vector<16xf32>
        %mul3A_312 = arith.constant 1024 : i32
        %mul3A_313 = arith.muli %scan3A_124, %mul3A_312 : i32
        %add3A_314 = arith.constant 256 : i32
        %add3A_315 = arith.addi %mul3A_313, %add3A_314 : i32
        %add3A_316 = arith.constant 32 : i32
        %add3A_317 = arith.addi %add3A_315, %add3A_316 : i32
        %get3A_318 = arith.index_cast %add3A_317 : i32 to index
        %get3A_319 = tpu.vector_load %arg4[%get3A_318] {strides = array<i32>} : memref<25600xf32, #tpu.memory_space<vmem>>, vector<16xf32>,
        %get3A_320 = vector.shape_cast %get3A_319 : vector<16xf32> to vector<16xf32>
        %add3A_321 = arith.addf %add3A_311, %get3A_320 : vector<16xf32>
        %mul3A_322 = arith.constant 1024 : i32
        %mul3A_323 = arith.muli %scan3A_124, %mul3A_322 : i32
        %add3A_324 = arith.constant 256 : i32
        %add3A_325 = arith.addi %mul3A_323, %add3A_324 : i32
        %add3A_326 = arith.constant 48 : i32
        %add3A_327 = arith.addi %add3A_325, %add3A_326 : i32
        %get3A_328 = arith.index_cast %add3A_327 : i32 to index
        %get3A_329 = tpu.vector_load %arg4[%get3A_328] {strides = array<i32>} : memref<25600xf32, #tpu.memory_space<vmem>>, vector<16xf32>,
        %get3A_330 = vector.shape_cast %get3A_329 : vector<16xf32> to vector<16xf32>
        %add3A_331 = arith.addf %add3A_321, %get3A_330 : vector<16xf32>
        %mul3A_332 = arith.constant 1024 : i32
        %mul3A_333 = arith.muli %scan3A_124, %mul3A_332 : i32
        %add3A_334 = arith.constant 256 : i32
        %add3A_335 = arith.addi %mul3A_333, %add3A_334 : i32
        %add3A_336 = arith.constant 64 : i32
        %add3A_337 = arith.addi %add3A_335, %add3A_336 : i32
        %get3A_338 = arith.index_cast %add3A_337 : i32 to index
        %get3A_339 = tpu.vector_load %arg4[%get3A_338] {strides = array<i32>} : memref<25600xf32, #tpu.memory_space<vmem>>, vector<16xf32>,
        %get3A_340 = vector.shape_cast %get3A_339 : vector<16xf32> to vector<16xf32>
        %add3A_341 = arith.addf %add3A_331, %get3A_340 : vector<16xf32>
        %mul3A_342 = arith.constant 1024 : i32
        %mul3A_343 = arith.muli %scan3A_124, %mul3A_342 : i32
        %add3A_344 = arith.constant 256 : i32
        %add3A_345 = arith.addi %mul3A_343, %add3A_344 : i32
        %add3A_346 = arith.constant 80 : i32
        %add3A_347 = arith.addi %add3A_345, %add3A_346 : i32
        %get3A_348 = arith.index_cast %add3A_347 : i32 to index
        %get3A_349 = tpu.vector_load %arg4[%get3A_348] {strides = array<i32>} : memref<25600xf32, #tpu.memory_space<vmem>>, vector<16xf32>,
        %get3A_350 = vector.shape_cast %get3A_349 : vector<16xf32> to vector<16xf32>
        %add3A_351 = arith.addf %add3A_341, %get3A_350 : vector<16xf32>
        %mul3A_352 = arith.constant 1024 : i32
        %mul3A_353 = arith.muli %scan3A_124, %mul3A_352 : i32
        %add3A_354 = arith.constant 256 : i32
        %add3A_355 = arith.addi %mul3A_353, %add3A_354 : i32
        %add3A_356 = arith.constant 96 : i32
        %add3A_357 = arith.addi %add3A_355, %add3A_356 : i32
        %get3A_358 = arith.index_cast %add3A_357 : i32 to index
        %get3A_359 = tpu.vector_load %arg4[%get3A_358] {strides = array<i32>} : memref<25600xf32, #tpu.memory_space<vmem>>, vector<16xf32>,
        %get3A_360 = vector.shape_cast %get3A_359 : vector<16xf32> to vector<16xf32>
        %add3A_361 = arith.addf %add3A_351, %get3A_360 : vector<16xf32>
        %mul3A_362 = arith.constant 1024 : i32
        %mul3A_363 = arith.muli %scan3A_124, %mul3A_362 : i32
        %add3A_364 = arith.constant 256 : i32
        %add3A_365 = arith.addi %mul3A_363, %add3A_364 : i32
        %add3A_366 = arith.constant 112 : i32
        %add3A_367 = arith.addi %add3A_365, %add3A_366 : i32
        %get3A_368 = arith.index_cast %add3A_367 : i32 to index
        %get3A_369 = tpu.vector_load %arg4[%get3A_368] {strides = array<i32>} : memref<25600xf32, #tpu.memory_space<vmem>>, vector<16xf32>,
        %get3A_370 = vector.shape_cast %get3A_369 : vector<16xf32> to vector<16xf32>
        %add3A_371 = arith.addf %add3A_361, %get3A_370 : vector<16xf32>
        %mul3A_372 = arith.constant 1024 : i32
        %mul3A_373 = arith.muli %scan3A_124, %mul3A_372 : i32
        %add3A_374 = arith.constant 384 : i32
        %add3A_375 = arith.addi %mul3A_373, %add3A_374 : i32
        %add3A_376 = arith.constant 0 : i32
        %add3A_377 = arith.addi %add3A_375, %add3A_376 : i32
        %get3A_378 = arith.index_cast %add3A_377 : i32 to index
        %get3A_379 = tpu.vector_load %arg4[%get3A_378] {strides = array<i32>} : memref<25600xf32, #tpu.memory_space<vmem>>, vector<16xf32>,
        %get3A_380 = vector.shape_cast %get3A_379 : vector<16xf32> to vector<16xf32>
        %add3A_381 = arith.addf %scan3A_128, %get3A_380 : vector<16xf32>
        %mul3A_382 = arith.constant 1024 : i32
        %mul3A_383 = arith.muli %scan3A_124, %mul3A_382 : i32
        %add3A_384 = arith.constant 384 : i32
        %add3A_385 = arith.addi %mul3A_383, %add3A_384 : i32
        %add3A_386 = arith.constant 16 : i32
        %add3A_387 = arith.addi %add3A_385, %add3A_386 : i32
        %get3A_388 = arith.index_cast %add3A_387 : i32 to index
        %get3A_389 = tpu.vector_load %arg4[%get3A_388] {strides = array<i32>} : memref<25600xf32, #tpu.memory_space<vmem>>, vector<16xf32>,
        %get3A_390 = vector.shape_cast %get3A_389 : vector<16xf32> to vector<16xf32>
        %add3A_391 = arith.addf %add3A_381, %get3A_390 : vector<16xf32>
        %mul3A_392 = arith.constant 1024 : i32
        %mul3A_393 = arith.muli %scan3A_124, %mul3A_392 : i32
        %add3A_394 = arith.constant 384 : i32
        %add3A_395 = arith.addi %mul3A_393, %add3A_394 : i32
        %add3A_396 = arith.constant 32 : i32
        %add3A_397 = arith.addi %add3A_395, %add3A_396 : i32
        %get3A_398 = arith.index_cast %add3A_397 : i32 to index
        %get3A_399 = tpu.vector_load %arg4[%get3A_398] {strides = array<i32>} : memref<25600xf32, #tpu.memory_space<vmem>>, vector<16xf32>,
        %get3A_400 = vector.shape_cast %get3A_399 : vector<16xf32> to vector<16xf32>
        %add3A_401 = arith.addf %add3A_391, %get3A_400 : vector<16xf32>
        %mul3A_402 = arith.constant 1024 : i32
        %mul3A_403 = arith.muli %scan3A_124, %mul3A_402 : i32
        %add3A_404 = arith.constant 384 : i32
        %add3A_405 = arith.addi %mul3A_403, %add3A_404 : i32
        %add3A_406 = arith.constant 48 : i32
        %add3A_407 = arith.addi %add3A_405, %add3A_406 : i32
        %get3A_408 = arith.index_cast %add3A_407 : i32 to index
        %get3A_409 = tpu.vector_load %arg4[%get3A_408] {strides = array<i32>} : memref<25600xf32, #tpu.memory_space<vmem>>, vector<16xf32>,
        %get3A_410 = vector.shape_cast %get3A_409 : vector<16xf32> to vector<16xf32>
        %add3A_411 = arith.addf %add3A_401, %get3A_410 : vector<16xf32>
        %mul3A_412 = arith.constant 1024 : i32
        %mul3A_413 = arith.muli %scan3A_124, %mul3A_412 : i32
        %add3A_414 = arith.constant 384 : i32
        %add3A_415 = arith.addi %mul3A_413, %add3A_414 : i32
        %add3A_416 = arith.constant 64 : i32
        %add3A_417 = arith.addi %add3A_415, %add3A_416 : i32
        %get3A_418 = arith.index_cast %add3A_417 : i32 to index
        %get3A_419 = tpu.vector_load %arg4[%get3A_418] {strides = array<i32>} : memref<25600xf32, #tpu.memory_space<vmem>>, vector<16xf32>,
        %get3A_420 = vector.shape_cast %get3A_419 : vector<16xf32> to vector<16xf32>
        %add3A_421 = arith.addf %add3A_411, %get3A_420 : vector<16xf32>
        %mul3A_422 = arith.constant 1024 : i32
        %mul3A_423 = arith.muli %scan3A_124, %mul3A_422 : i32
        %add3A_424 = arith.constant 384 : i32
        %add3A_425 = arith.addi %mul3A_423, %add3A_424 : i32
        %add3A_426 = arith.constant 80 : i32
        %add3A_427 = arith.addi %add3A_425, %add3A_426 : i32
        %get3A_428 = arith.index_cast %add3A_427 : i32 to index
        %get3A_429 = tpu.vector_load %arg4[%get3A_428] {strides = array<i32>} : memref<25600xf32, #tpu.memory_space<vmem>>, vector<16xf32>,
        %get3A_430 = vector.shape_cast %get3A_429 : vector<16xf32> to vector<16xf32>
        %add3A_431 = arith.addf %add3A_421, %get3A_430 : vector<16xf32>
        %mul3A_432 = arith.constant 1024 : i32
        %mul3A_433 = arith.muli %scan3A_124, %mul3A_432 : i32
        %add3A_434 = arith.constant 384 : i32
        %add3A_435 = arith.addi %mul3A_433, %add3A_434 : i32
        %add3A_436 = arith.constant 96 : i32
        %add3A_437 = arith.addi %add3A_435, %add3A_436 : i32
        %get3A_438 = arith.index_cast %add3A_437 : i32 to index
        %get3A_439 = tpu.vector_load %arg4[%get3A_438] {strides = array<i32>} : memref<25600xf32, #tpu.memory_space<vmem>>, vector<16xf32>,
        %get3A_440 = vector.shape_cast %get3A_439 : vector<16xf32> to vector<16xf32>
        %add3A_441 = arith.addf %add3A_431, %get3A_440 : vector<16xf32>
        %mul3A_442 = arith.constant 1024 : i32
        %mul3A_443 = arith.muli %scan3A_124, %mul3A_442 : i32
        %add3A_444 = arith.constant 384 : i32
        %add3A_445 = arith.addi %mul3A_443, %add3A_444 : i32
        %add3A_446 = arith.constant 112 : i32
        %add3A_447 = arith.addi %add3A_445, %add3A_446 : i32
        %get3A_448 = arith.index_cast %add3A_447 : i32 to index
        %get3A_449 = tpu.vector_load %arg4[%get3A_448] {strides = array<i32>} : memref<25600xf32, #tpu.memory_space<vmem>>, vector<16xf32>,
        %get3A_450 = vector.shape_cast %get3A_449 : vector<16xf32> to vector<16xf32>
        %add3A_451 = arith.addf %add3A_441, %get3A_450 : vector<16xf32>
        %mul3A_452 = arith.constant 1024 : i32
        %mul3A_453 = arith.muli %scan3A_124, %mul3A_452 : i32
        %add3A_454 = arith.constant 512 : i32
        %add3A_455 = arith.addi %mul3A_453, %add3A_454 : i32
        %add3A_456 = arith.constant 0 : i32
        %add3A_457 = arith.addi %add3A_455, %add3A_456 : i32
        %get3A_458 = arith.index_cast %add3A_457 : i32 to index
        %get3A_459 = tpu.vector_load %arg4[%get3A_458] {strides = array<i32>} : memref<25600xf32, #tpu.memory_space<vmem>>, vector<16xf32>,
        %get3A_460 = vector.shape_cast %get3A_459 : vector<16xf32> to vector<16xf32>
        %add3A_461 = arith.addf %scan3A_129, %get3A_460 : vector<16xf32>
        %mul3A_462 = arith.constant 1024 : i32
        %mul3A_463 = arith.muli %scan3A_124, %mul3A_462 : i32
        %add3A_464 = arith.constant 512 : i32
        %add3A_465 = arith.addi %mul3A_463, %add3A_464 : i32
        %add3A_466 = arith.constant 16 : i32
        %add3A_467 = arith.addi %add3A_465, %add3A_466 : i32
        %get3A_468 = arith.index_cast %add3A_467 : i32 to index
        %get3A_469 = tpu.vector_load %arg4[%get3A_468] {strides = array<i32>} : memref<25600xf32, #tpu.memory_space<vmem>>, vector<16xf32>,
        %get3A_470 = vector.shape_cast %get3A_469 : vector<16xf32> to vector<16xf32>
        %add3A_471 = arith.addf %add3A_461, %get3A_470 : vector<16xf32>
        %mul3A_472 = arith.constant 1024 : i32
        %mul3A_473 = arith.muli %scan3A_124, %mul3A_472 : i32
        %add3A_474 = arith.constant 512 : i32
        %add3A_475 = arith.addi %mul3A_473, %add3A_474 : i32
        %add3A_476 = arith.constant 32 : i32
        %add3A_477 = arith.addi %add3A_475, %add3A_476 : i32
        %get3A_478 = arith.index_cast %add3A_477 : i32 to index
        %get3A_479 = tpu.vector_load %arg4[%get3A_478] {strides = array<i32>} : memref<25600xf32, #tpu.memory_space<vmem>>, vector<16xf32>,
        %get3A_480 = vector.shape_cast %get3A_479 : vector<16xf32> to vector<16xf32>
        %add3A_481 = arith.addf %add3A_471, %get3A_480 : vector<16xf32>
        %mul3A_482 = arith.constant 1024 : i32
        %mul3A_483 = arith.muli %scan3A_124, %mul3A_482 : i32
        %add3A_484 = arith.constant 512 : i32
        %add3A_485 = arith.addi %mul3A_483, %add3A_484 : i32
        %add3A_486 = arith.constant 48 : i32
        %add3A_487 = arith.addi %add3A_485, %add3A_486 : i32
        %get3A_488 = arith.index_cast %add3A_487 : i32 to index
        %get3A_489 = tpu.vector_load %arg4[%get3A_488] {strides = array<i32>} : memref<25600xf32, #tpu.memory_space<vmem>>, vector<16xf32>,
        %get3A_490 = vector.shape_cast %get3A_489 : vector<16xf32> to vector<16xf32>
        %add3A_491 = arith.addf %add3A_481, %get3A_490 : vector<16xf32>
        %mul3A_492 = arith.constant 1024 : i32
        %mul3A_493 = arith.muli %scan3A_124, %mul3A_492 : i32
        %add3A_494 = arith.constant 512 : i32
        %add3A_495 = arith.addi %mul3A_493, %add3A_494 : i32
        %add3A_496 = arith.constant 64 : i32
        %add3A_497 = arith.addi %add3A_495, %add3A_496 : i32
        %get3A_498 = arith.index_cast %add3A_497 : i32 to index
        %get3A_499 = tpu.vector_load %arg4[%get3A_498] {strides = array<i32>} : memref<25600xf32, #tpu.memory_space<vmem>>, vector<16xf32>,
        %get3A_500 = vector.shape_cast %get3A_499 : vector<16xf32> to vector<16xf32>
        %add3A_501 = arith.addf %add3A_491, %get3A_500 : vector<16xf32>
        %mul3A_502 = arith.constant 1024 : i32
        %mul3A_503 = arith.muli %scan3A_124, %mul3A_502 : i32
        %add3A_504 = arith.constant 512 : i32
        %add3A_505 = arith.addi %mul3A_503, %add3A_504 : i32
        %add3A_506 = arith.constant 80 : i32
        %add3A_507 = arith.addi %add3A_505, %add3A_506 : i32
        %get3A_508 = arith.index_cast %add3A_507 : i32 to index
        %get3A_509 = tpu.vector_load %arg4[%get3A_508] {strides = array<i32>} : memref<25600xf32, #tpu.memory_space<vmem>>, vector<16xf32>,
        %get3A_510 = vector.shape_cast %get3A_509 : vector<16xf32> to vector<16xf32>
        %add3A_511 = arith.addf %add3A_501, %get3A_510 : vector<16xf32>
        %mul3A_512 = arith.constant 1024 : i32
        %mul3A_513 = arith.muli %scan3A_124, %mul3A_512 : i32
        %add3A_514 = arith.constant 512 : i32
        %add3A_515 = arith.addi %mul3A_513, %add3A_514 : i32
        %add3A_516 = arith.constant 96 : i32
        %add3A_517 = arith.addi %add3A_515, %add3A_516 : i32
        %get3A_518 = arith.index_cast %add3A_517 : i32 to index
        %get3A_519 = tpu.vector_load %arg4[%get3A_518] {strides = array<i32>} : memref<25600xf32, #tpu.memory_space<vmem>>, vector<16xf32>,
        %get3A_520 = vector.shape_cast %get3A_519 : vector<16xf32> to vector<16xf32>
        %add3A_521 = arith.addf %add3A_511, %get3A_520 : vector<16xf32>
        %mul3A_522 = arith.constant 1024 : i32
        %mul3A_523 = arith.muli %scan3A_124, %mul3A_522 : i32
        %add3A_524 = arith.constant 512 : i32
        %add3A_525 = arith.addi %mul3A_523, %add3A_524 : i32
        %add3A_526 = arith.constant 112 : i32
        %add3A_527 = arith.addi %add3A_525, %add3A_526 : i32
        %get3A_528 = arith.index_cast %add3A_527 : i32 to index
        %get3A_529 = tpu.vector_load %arg4[%get3A_528] {strides = array<i32>} : memref<25600xf32, #tpu.memory_space<vmem>>, vector<16xf32>,
        %get3A_530 = vector.shape_cast %get3A_529 : vector<16xf32> to vector<16xf32>
        %add3A_531 = arith.addf %add3A_521, %get3A_530 : vector<16xf32>
        %mul3A_532 = arith.constant 1024 : i32
        %mul3A_533 = arith.muli %scan3A_124, %mul3A_532 : i32
        %add3A_534 = arith.constant 640 : i32
        %add3A_535 = arith.addi %mul3A_533, %add3A_534 : i32
        %add3A_536 = arith.constant 0 : i32
        %add3A_537 = arith.addi %add3A_535, %add3A_536 : i32
        %get3A_538 = arith.index_cast %add3A_537 : i32 to index
        %get3A_539 = tpu.vector_load %arg4[%get3A_538] {strides = array<i32>} : memref<25600xf32, #tpu.memory_space<vmem>>, vector<16xf32>,
        %get3A_540 = vector.shape_cast %get3A_539 : vector<16xf32> to vector<16xf32>
        %add3A_541 = arith.addf %scan3A_130, %get3A_540 : vector<16xf32>
        %mul3A_542 = arith.constant 1024 : i32
        %mul3A_543 = arith.muli %scan3A_124, %mul3A_542 : i32
        %add3A_544 = arith.constant 640 : i32
        %add3A_545 = arith.addi %mul3A_543, %add3A_544 : i32
        %add3A_546 = arith.constant 16 : i32
        %add3A_547 = arith.addi %add3A_545, %add3A_546 : i32
        %get3A_548 = arith.index_cast %add3A_547 : i32 to index
        %get3A_549 = tpu.vector_load %arg4[%get3A_548] {strides = array<i32>} : memref<25600xf32, #tpu.memory_space<vmem>>, vector<16xf32>,
        %get3A_550 = vector.shape_cast %get3A_549 : vector<16xf32> to vector<16xf32>
        %add3A_551 = arith.addf %add3A_541, %get3A_550 : vector<16xf32>
        %mul3A_552 = arith.constant 1024 : i32
        %mul3A_553 = arith.muli %scan3A_124, %mul3A_552 : i32
        %add3A_554 = arith.constant 640 : i32
        %add3A_555 = arith.addi %mul3A_553, %add3A_554 : i32
        %add3A_556 = arith.constant 32 : i32
        %add3A_557 = arith.addi %add3A_555, %add3A_556 : i32
        %get3A_558 = arith.index_cast %add3A_557 : i32 to index
        %get3A_559 = tpu.vector_load %arg4[%get3A_558] {strides = array<i32>} : memref<25600xf32, #tpu.memory_space<vmem>>, vector<16xf32>,
        %get3A_560 = vector.shape_cast %get3A_559 : vector<16xf32> to vector<16xf32>
        %add3A_561 = arith.addf %add3A_551, %get3A_560 : vector<16xf32>
        %mul3A_562 = arith.constant 1024 : i32
        %mul3A_563 = arith.muli %scan3A_124, %mul3A_562 : i32
        %add3A_564 = arith.constant 640 : i32
        %add3A_565 = arith.addi %mul3A_563, %add3A_564 : i32
        %add3A_566 = arith.constant 48 : i32
        %add3A_567 = arith.addi %add3A_565, %add3A_566 : i32
        %get3A_568 = arith.index_cast %add3A_567 : i32 to index
        %get3A_569 = tpu.vector_load %arg4[%get3A_568] {strides = array<i32>} : memref<25600xf32, #tpu.memory_space<vmem>>, vector<16xf32>,
        %get3A_570 = vector.shape_cast %get3A_569 : vector<16xf32> to vector<16xf32>
        %add3A_571 = arith.addf %add3A_561, %get3A_570 : vector<16xf32>
        %mul3A_572 = arith.constant 1024 : i32
        %mul3A_573 = arith.muli %scan3A_124, %mul3A_572 : i32
        %add3A_574 = arith.constant 640 : i32
        %add3A_575 = arith.addi %mul3A_573, %add3A_574 : i32
        %add3A_576 = arith.constant 64 : i32
        %add3A_577 = arith.addi %add3A_575, %add3A_576 : i32
        %get3A_578 = arith.index_cast %add3A_577 : i32 to index
        %get3A_579 = tpu.vector_load %arg4[%get3A_578] {strides = array<i32>} : memref<25600xf32, #tpu.memory_space<vmem>>, vector<16xf32>,
        %get3A_580 = vector.shape_cast %get3A_579 : vector<16xf32> to vector<16xf32>
        %add3A_581 = arith.addf %add3A_571, %get3A_580 : vector<16xf32>
        %mul3A_582 = arith.constant 1024 : i32
        %mul3A_583 = arith.muli %scan3A_124, %mul3A_582 : i32
        %add3A_584 = arith.constant 640 : i32
        %add3A_585 = arith.addi %mul3A_583, %add3A_584 : i32
        %add3A_586 = arith.constant 80 : i32
        %add3A_587 = arith.addi %add3A_585, %add3A_586 : i32
        %get3A_588 = arith.index_cast %add3A_587 : i32 to index
        %get3A_589 = tpu.vector_load %arg4[%get3A_588] {strides = array<i32>} : memref<25600xf32, #tpu.memory_space<vmem>>, vector<16xf32>,
        %get3A_590 = vector.shape_cast %get3A_589 : vector<16xf32> to vector<16xf32>
        %add3A_591 = arith.addf %add3A_581, %get3A_590 : vector<16xf32>
        %mul3A_592 = arith.constant 1024 : i32
        %mul3A_593 = arith.muli %scan3A_124, %mul3A_592 : i32
        %add3A_594 = arith.constant 640 : i32
        %add3A_595 = arith.addi %mul3A_593, %add3A_594 : i32
        %add3A_596 = arith.constant 96 : i32
        %add3A_597 = arith.addi %add3A_595, %add3A_596 : i32
        %get3A_598 = arith.index_cast %add3A_597 : i32 to index
        %get3A_599 = tpu.vector_load %arg4[%get3A_598] {strides = array<i32>} : memref<25600xf32, #tpu.memory_space<vmem>>, vector<16xf32>,
        %get3A_600 = vector.shape_cast %get3A_599 : vector<16xf32> to vector<16xf32>
        %add3A_601 = arith.addf %add3A_591, %get3A_600 : vector<16xf32>
        %mul3A_602 = arith.constant 1024 : i32
        %mul3A_603 = arith.muli %scan3A_124, %mul3A_602 : i32
        %add3A_604 = arith.constant 640 : i32
        %add3A_605 = arith.addi %mul3A_603, %add3A_604 : i32
        %add3A_606 = arith.constant 112 : i32
        %add3A_607 = arith.addi %add3A_605, %add3A_606 : i32
        %get3A_608 = arith.index_cast %add3A_607 : i32 to index
        %get3A_609 = tpu.vector_load %arg4[%get3A_608] {strides = array<i32>} : memref<25600xf32, #tpu.memory_space<vmem>>, vector<16xf32>,
        %get3A_610 = vector.shape_cast %get3A_609 : vector<16xf32> to vector<16xf32>
        %add3A_611 = arith.addf %add3A_601, %get3A_610 : vector<16xf32>
        %mul3A_612 = arith.constant 1024 : i32
        %mul3A_613 = arith.muli %scan3A_124, %mul3A_612 : i32
        %add3A_614 = arith.constant 768 : i32
        %add3A_615 = arith.addi %mul3A_613, %add3A_614 : i32
        %add3A_616 = arith.constant 0 : i32
        %add3A_617 = arith.addi %add3A_615, %add3A_616 : i32
        %get3A_618 = arith.index_cast %add3A_617 : i32 to index
        %get3A_619 = tpu.vector_load %arg4[%get3A_618] {strides = array<i32>} : memref<25600xf32, #tpu.memory_space<vmem>>, vector<16xf32>,
        %get3A_620 = vector.shape_cast %get3A_619 : vector<16xf32> to vector<16xf32>
        %add3A_621 = arith.addf %scan3A_131, %get3A_620 : vector<16xf32>
        %mul3A_622 = arith.constant 1024 : i32
        %mul3A_623 = arith.muli %scan3A_124, %mul3A_622 : i32
        %add3A_624 = arith.constant 768 : i32
        %add3A_625 = arith.addi %mul3A_623, %add3A_624 : i32
        %add3A_626 = arith.constant 16 : i32
        %add3A_627 = arith.addi %add3A_625, %add3A_626 : i32
        %get3A_628 = arith.index_cast %add3A_627 : i32 to index
        %get3A_629 = tpu.vector_load %arg4[%get3A_628] {strides = array<i32>} : memref<25600xf32, #tpu.memory_space<vmem>>, vector<16xf32>,
        %get3A_630 = vector.shape_cast %get3A_629 : vector<16xf32> to vector<16xf32>
        %add3A_631 = arith.addf %add3A_621, %get3A_630 : vector<16xf32>
        %mul3A_632 = arith.constant 1024 : i32
        %mul3A_633 = arith.muli %scan3A_124, %mul3A_632 : i32
        %add3A_634 = arith.constant 768 : i32
        %add3A_635 = arith.addi %mul3A_633, %add3A_634 : i32
        %add3A_636 = arith.constant 32 : i32
        %add3A_637 = arith.addi %add3A_635, %add3A_636 : i32
        %get3A_638 = arith.index_cast %add3A_637 : i32 to index
        %get3A_639 = tpu.vector_load %arg4[%get3A_638] {strides = array<i32>} : memref<25600xf32, #tpu.memory_space<vmem>>, vector<16xf32>,
        %get3A_640 = vector.shape_cast %get3A_639 : vector<16xf32> to vector<16xf32>
        %add3A_641 = arith.addf %add3A_631, %get3A_640 : vector<16xf32>
        %mul3A_642 = arith.constant 1024 : i32
        %mul3A_643 = arith.muli %scan3A_124, %mul3A_642 : i32
        %add3A_644 = arith.constant 768 : i32
        %add3A_645 = arith.addi %mul3A_643, %add3A_644 : i32
        %add3A_646 = arith.constant 48 : i32
        %add3A_647 = arith.addi %add3A_645, %add3A_646 : i32
        %get3A_648 = arith.index_cast %add3A_647 : i32 to index
        %get3A_649 = tpu.vector_load %arg4[%get3A_648] {strides = array<i32>} : memref<25600xf32, #tpu.memory_space<vmem>>, vector<16xf32>,
        %get3A_650 = vector.shape_cast %get3A_649 : vector<16xf32> to vector<16xf32>
        %add3A_651 = arith.addf %add3A_641, %get3A_650 : vector<16xf32>
        %mul3A_652 = arith.constant 1024 : i32
        %mul3A_653 = arith.muli %scan3A_124, %mul3A_652 : i32
        %add3A_654 = arith.constant 768 : i32
        %add3A_655 = arith.addi %mul3A_653, %add3A_654 : i32
        %add3A_656 = arith.constant 64 : i32
        %add3A_657 = arith.addi %add3A_655, %add3A_656 : i32
        %get3A_658 = arith.index_cast %add3A_657 : i32 to index
        %get3A_659 = tpu.vector_load %arg4[%get3A_658] {strides = array<i32>} : memref<25600xf32, #tpu.memory_space<vmem>>, vector<16xf32>,
        %get3A_660 = vector.shape_cast %get3A_659 : vector<16xf32> to vector<16xf32>
        %add3A_661 = arith.addf %add3A_651, %get3A_660 : vector<16xf32>
        %mul3A_662 = arith.constant 1024 : i32
        %mul3A_663 = arith.muli %scan3A_124, %mul3A_662 : i32
        %add3A_664 = arith.constant 768 : i32
        %add3A_665 = arith.addi %mul3A_663, %add3A_664 : i32
        %add3A_666 = arith.constant 80 : i32
        %add3A_667 = arith.addi %add3A_665, %add3A_666 : i32
        %get3A_668 = arith.index_cast %add3A_667 : i32 to index
        %get3A_669 = tpu.vector_load %arg4[%get3A_668] {strides = array<i32>} : memref<25600xf32, #tpu.memory_space<vmem>>, vector<16xf32>,
        %get3A_670 = vector.shape_cast %get3A_669 : vector<16xf32> to vector<16xf32>
        %add3A_671 = arith.addf %add3A_661, %get3A_670 : vector<16xf32>
        %mul3A_672 = arith.constant 1024 : i32
        %mul3A_673 = arith.muli %scan3A_124, %mul3A_672 : i32
        %add3A_674 = arith.constant 768 : i32
        %add3A_675 = arith.addi %mul3A_673, %add3A_674 : i32
        %add3A_676 = arith.constant 96 : i32
        %add3A_677 = arith.addi %add3A_675, %add3A_676 : i32
        %get3A_678 = arith.index_cast %add3A_677 : i32 to index
        %get3A_679 = tpu.vector_load %arg4[%get3A_678] {strides = array<i32>} : memref<25600xf32, #tpu.memory_space<vmem>>, vector<16xf32>,
        %get3A_680 = vector.shape_cast %get3A_679 : vector<16xf32> to vector<16xf32>
        %add3A_681 = arith.addf %add3A_671, %get3A_680 : vector<16xf32>
        %mul3A_682 = arith.constant 1024 : i32
        %mul3A_683 = arith.muli %scan3A_124, %mul3A_682 : i32
        %add3A_684 = arith.constant 768 : i32
        %add3A_685 = arith.addi %mul3A_683, %add3A_684 : i32
        %add3A_686 = arith.constant 112 : i32
        %add3A_687 = arith.addi %add3A_685, %add3A_686 : i32
        %get3A_688 = arith.index_cast %add3A_687 : i32 to index
        %get3A_689 = tpu.vector_load %arg4[%get3A_688] {strides = array<i32>} : memref<25600xf32, #tpu.memory_space<vmem>>, vector<16xf32>,
        %get3A_690 = vector.shape_cast %get3A_689 : vector<16xf32> to vector<16xf32>
        %add3A_691 = arith.addf %add3A_681, %get3A_690 : vector<16xf32>
        %mul3A_692 = arith.constant 1024 : i32
        %mul3A_693 = arith.muli %scan3A_124, %mul3A_692 : i32
        %add3A_694 = arith.constant 896 : i32
        %add3A_695 = arith.addi %mul3A_693, %add3A_694 : i32
        %add3A_696 = arith.constant 0 : i32
        %add3A_697 = arith.addi %add3A_695, %add3A_696 : i32
        %get3A_698 = arith.index_cast %add3A_697 : i32 to index
        %get3A_699 = tpu.vector_load %arg4[%get3A_698] {strides = array<i32>} : memref<25600xf32, #tpu.memory_space<vmem>>, vector<16xf32>,
        %get3A_700 = vector.shape_cast %get3A_699 : vector<16xf32> to vector<16xf32>
        %add3A_701 = arith.addf %scan3A_132, %get3A_700 : vector<16xf32>
        %mul3A_702 = arith.constant 1024 : i32
        %mul3A_703 = arith.muli %scan3A_124, %mul3A_702 : i32
        %add3A_704 = arith.constant 896 : i32
        %add3A_705 = arith.addi %mul3A_703, %add3A_704 : i32
        %add3A_706 = arith.constant 16 : i32
        %add3A_707 = arith.addi %add3A_705, %add3A_706 : i32
        %get3A_708 = arith.index_cast %add3A_707 : i32 to index
        %get3A_709 = tpu.vector_load %arg4[%get3A_708] {strides = array<i32>} : memref<25600xf32, #tpu.memory_space<vmem>>, vector<16xf32>,
        %get3A_710 = vector.shape_cast %get3A_709 : vector<16xf32> to vector<16xf32>
        %add3A_711 = arith.addf %add3A_701, %get3A_710 : vector<16xf32>
        %mul3A_712 = arith.constant 1024 : i32
        %mul3A_713 = arith.muli %scan3A_124, %mul3A_712 : i32
        %add3A_714 = arith.constant 896 : i32
        %add3A_715 = arith.addi %mul3A_713, %add3A_714 : i32
        %add3A_716 = arith.constant 32 : i32
        %add3A_717 = arith.addi %add3A_715, %add3A_716 : i32
        %get3A_718 = arith.index_cast %add3A_717 : i32 to index
        %get3A_719 = tpu.vector_load %arg4[%get3A_718] {strides = array<i32>} : memref<25600xf32, #tpu.memory_space<vmem>>, vector<16xf32>,
        %get3A_720 = vector.shape_cast %get3A_719 : vector<16xf32> to vector<16xf32>
        %add3A_721 = arith.addf %add3A_711, %get3A_720 : vector<16xf32>
        %mul3A_722 = arith.constant 1024 : i32
        %mul3A_723 = arith.muli %scan3A_124, %mul3A_722 : i32
        %add3A_724 = arith.constant 896 : i32
        %add3A_725 = arith.addi %mul3A_723, %add3A_724 : i32
        %add3A_726 = arith.constant 48 : i32
        %add3A_727 = arith.addi %add3A_725, %add3A_726 : i32
        %get3A_728 = arith.index_cast %add3A_727 : i32 to index
        %get3A_729 = tpu.vector_load %arg4[%get3A_728] {strides = array<i32>} : memref<25600xf32, #tpu.memory_space<vmem>>, vector<16xf32>,
        %get3A_730 = vector.shape_cast %get3A_729 : vector<16xf32> to vector<16xf32>
        %add3A_731 = arith.addf %add3A_721, %get3A_730 : vector<16xf32>
        %mul3A_732 = arith.constant 1024 : i32
        %mul3A_733 = arith.muli %scan3A_124, %mul3A_732 : i32
        %add3A_734 = arith.constant 896 : i32
        %add3A_735 = arith.addi %mul3A_733, %add3A_734 : i32
        %add3A_736 = arith.constant 64 : i32
        %add3A_737 = arith.addi %add3A_735, %add3A_736 : i32
        %get3A_738 = arith.index_cast %add3A_737 : i32 to index
        %get3A_739 = tpu.vector_load %arg4[%get3A_738] {strides = array<i32>} : memref<25600xf32, #tpu.memory_space<vmem>>, vector<16xf32>,
        %get3A_740 = vector.shape_cast %get3A_739 : vector<16xf32> to vector<16xf32>
        %add3A_741 = arith.addf %add3A_731, %get3A_740 : vector<16xf32>
        %mul3A_742 = arith.constant 1024 : i32
        %mul3A_743 = arith.muli %scan3A_124, %mul3A_742 : i32
        %add3A_744 = arith.constant 896 : i32
        %add3A_745 = arith.addi %mul3A_743, %add3A_744 : i32
        %add3A_746 = arith.constant 80 : i32
        %add3A_747 = arith.addi %add3A_745, %add3A_746 : i32
        %get3A_748 = arith.index_cast %add3A_747 : i32 to index
        %get3A_749 = tpu.vector_load %arg4[%get3A_748] {strides = array<i32>} : memref<25600xf32, #tpu.memory_space<vmem>>, vector<16xf32>,
        %get3A_750 = vector.shape_cast %get3A_749 : vector<16xf32> to vector<16xf32>
        %add3A_751 = arith.addf %add3A_741, %get3A_750 : vector<16xf32>
        %mul3A_752 = arith.constant 1024 : i32
        %mul3A_753 = arith.muli %scan3A_124, %mul3A_752 : i32
        %add3A_754 = arith.constant 896 : i32
        %add3A_755 = arith.addi %mul3A_753, %add3A_754 : i32
        %add3A_756 = arith.constant 96 : i32
        %add3A_757 = arith.addi %add3A_755, %add3A_756 : i32
        %get3A_758 = arith.index_cast %add3A_757 : i32 to index
        %get3A_759 = tpu.vector_load %arg4[%get3A_758] {strides = array<i32>} : memref<25600xf32, #tpu.memory_space<vmem>>, vector<16xf32>,
        %get3A_760 = vector.shape_cast %get3A_759 : vector<16xf32> to vector<16xf32>
        %add3A_761 = arith.addf %add3A_751, %get3A_760 : vector<16xf32>
        %mul3A_762 = arith.constant 1024 : i32
        %mul3A_763 = arith.muli %scan3A_124, %mul3A_762 : i32
        %add3A_764 = arith.constant 896 : i32
        %add3A_765 = arith.addi %mul3A_763, %add3A_764 : i32
        %add3A_766 = arith.constant 112 : i32
        %add3A_767 = arith.addi %add3A_765, %add3A_766 : i32
        %get3A_768 = arith.index_cast %add3A_767 : i32 to index
        %get3A_769 = tpu.vector_load %arg4[%get3A_768] {strides = array<i32>} : memref<25600xf32, #tpu.memory_space<vmem>>, vector<16xf32>,
        %get3A_770 = vector.shape_cast %get3A_769 : vector<16xf32> to vector<16xf32>
        %add3A_771 = arith.addf %add3A_761, %get3A_770 : vector<16xf32>
        scf.yield %add3A_211, %add3A_291, %add3A_371, %add3A_451, %add3A_531, %add3A_611, %add3A_691, %add3A_771 : vector<16xf32>, vector<16xf32>, vector<16xf32>, vector<16xf32>, vector<16xf32>, vector<16xf32>, vector<16xf32>, vector<16xf32>
      }
      %scan3A_99 = arith.constant 25 : i32
      %add3A_100 = arith.constant 2 : i32
      %add3A_101 = arith.addi %add3A_92, %add3A_100 : i32
      %lt3A_102 = arith.constant 10 : i32
      %lt3A_103 = arith.cmpi slt, %add3A_101, %lt3A_102 : i32
      %convert_element_type3A = arith.extui %lt3A_103 : i1 to i32
      %cond3A = arith.constant 0 : i32
      %cond3A_104 = arith.cmpi ne, %convert_element_type3A, %cond3A : i32
      scf.if %cond3A_104 {
        %add3A_124 = arith.constant 2 : i32
        %add3A_125 = arith.addi %add3A_92, %add3A_124 : i32
        %mul3A_126 = arith.constant 25600 : i32
        %mul3A_127 = arith.muli %add3A_125, %mul3A_126 : i32
        %add3A_128 = arith.addi %add3A_37, %mul3A_127 : i32
        %dma_start3A_129 = tpu.memref_slice %arg2[%add3A_128] : memref<25600000xf32, #tpu.memory_space<hbm>> -> memref<25600xf32, #tpu.memory_space<hbm>>
        %dma_start3A_130 = tpu.memref_slice %arg2[%add3A_128] : memref<25600000xf32, #tpu.memory_space<hbm>> -> memref<25600xf32, #tpu.memory_space<hbm>>
        tpu.enqueue_dma source(%dma_start3A_130 : memref<25600xf32, #tpu.memory_space<hbm>>) target(%arg4 : memref<25600xf32, #tpu.memory_space<vmem>>) target_semaphore(%arg7 : memref<!tpu.dma_semaphore, #tpu.memory_space<semaphore_mem>>)
      } else {
      }
      %mul3A_105 = arith.constant 2 : i32
      %mul3A_106 = arith.muli %scan3A_80, %mul3A_105 : i32
      %add3A_107 = arith.constant 1 : i32
      %add3A_108 = arith.addi %mul3A_106, %add3A_107 : i32
      %dma_wait3A_109 = tpu.memref_slice %arg2[%add3A_37] : memref<25600000xf32, #tpu.memory_space<hbm>> -> memref<25600xf32, #tpu.memory_space<hbm>>
      %dma_wait3A_110 = tpu.memref_slice %arg2[%add3A_37] : memref<25600000xf32, #tpu.memory_space<hbm>> -> memref<25600xf32, #tpu.memory_space<hbm>>
      tpu.wait_dma2 semaphore(%arg8 : memref<!tpu.dma_semaphore, #tpu.memory_space<semaphore_mem>>) src(%dma_wait3A_110 : memref<25600xf32, #tpu.memory_space<hbm>>) dst(%arg5 : memref<25600xf32, #tpu.memory_space<vmem>>)
      %scan3A_111 = arith.constant 0 : i32
      %scan3A_112 = arith.constant 25 : i32
      %scan3A_113 = arith.addi %scan3A_111, %scan3A_112 : i32
      %scan3A_114 = arith.constant 1 : i32
      %scan3A_115:8 = scf.for %scan3A_124 = %scan3A_111 to %scan3A_113 step %scan3A_114 iter_args(%scan3A_125 = %scan3A_98#0, %scan3A_126 = %scan3A_98#1, %scan3A_127 = %scan3A_98#2, %scan3A_128 = %scan3A_98#3, %scan3A_129 = %scan3A_98#4, %scan3A_130 = %scan3A_98#5, %scan3A_131 = %scan3A_98#6, %scan3A_132 = %scan3A_98#7) -> (vector<16xf32>, vector<16xf32>, vector<16xf32>, vector<16xf32>, vector<16xf32>, vector<16xf32>, vector<16xf32>, vector<16xf32>)  : i32 {
        %mul3A_133 = arith.constant 1024 : i32
        %mul3A_134 = arith.muli %scan3A_124, %mul3A_133 : i32
        %add3A_135 = arith.constant 0 : i32
        %add3A_136 = arith.addi %mul3A_134, %add3A_135 : i32
        %add3A_137 = arith.constant 0 : i32
        %add3A_138 = arith.addi %add3A_136, %add3A_137 : i32
        %get3A = arith.index_cast %add3A_138 : i32 to index
        %get3A_139 = tpu.vector_load %arg5[%get3A] {strides = array<i32>} : memref<25600xf32, #tpu.memory_space<vmem>>, vector<16xf32>,
        %get3A_140 = vector.shape_cast %get3A_139 : vector<16xf32> to vector<16xf32>
        %add3A_141 = arith.addf %scan3A_125, %get3A_140 : vector<16xf32>
        %mul3A_142 = arith.constant 1024 : i32
        %mul3A_143 = arith.muli %scan3A_124, %mul3A_142 : i32
        %add3A_144 = arith.constant 0 : i32
        %add3A_145 = arith.addi %mul3A_143, %add3A_144 : i32
        %add3A_146 = arith.constant 16 : i32
        %add3A_147 = arith.addi %add3A_145, %add3A_146 : i32
        %get3A_148 = arith.index_cast %add3A_147 : i32 to index
        %get3A_149 = tpu.vector_load %arg5[%get3A_148] {strides = array<i32>} : memref<25600xf32, #tpu.memory_space<vmem>>, vector<16xf32>,
        %get3A_150 = vector.shape_cast %get3A_149 : vector<16xf32> to vector<16xf32>
        %add3A_151 = arith.addf %add3A_141, %get3A_150 : vector<16xf32>
        %mul3A_152 = arith.constant 1024 : i32
        %mul3A_153 = arith.muli %scan3A_124, %mul3A_152 : i32
        %add3A_154 = arith.constant 0 : i32
        %add3A_155 = arith.addi %mul3A_153, %add3A_154 : i32
        %add3A_156 = arith.constant 32 : i32
        %add3A_157 = arith.addi %add3A_155, %add3A_156 : i32
        %get3A_158 = arith.index_cast %add3A_157 : i32 to index
        %get3A_159 = tpu.vector_load %arg5[%get3A_158] {strides = array<i32>} : memref<25600xf32, #tpu.memory_space<vmem>>, vector<16xf32>,
        %get3A_160 = vector.shape_cast %get3A_159 : vector<16xf32> to vector<16xf32>
        %add3A_161 = arith.addf %add3A_151, %get3A_160 : vector<16xf32>
        %mul3A_162 = arith.constant 1024 : i32
        %mul3A_163 = arith.muli %scan3A_124, %mul3A_162 : i32
        %add3A_164 = arith.constant 0 : i32
        %add3A_165 = arith.addi %mul3A_163, %add3A_164 : i32
        %add3A_166 = arith.constant 48 : i32
        %add3A_167 = arith.addi %add3A_165, %add3A_166 : i32
        %get3A_168 = arith.index_cast %add3A_167 : i32 to index
        %get3A_169 = tpu.vector_load %arg5[%get3A_168] {strides = array<i32>} : memref<25600xf32, #tpu.memory_space<vmem>>, vector<16xf32>,
        %get3A_170 = vector.shape_cast %get3A_169 : vector<16xf32> to vector<16xf32>
        %add3A_171 = arith.addf %add3A_161, %get3A_170 : vector<16xf32>
        %mul3A_172 = arith.constant 1024 : i32
        %mul3A_173 = arith.muli %scan3A_124, %mul3A_172 : i32
        %add3A_174 = arith.constant 0 : i32
        %add3A_175 = arith.addi %mul3A_173, %add3A_174 : i32
        %add3A_176 = arith.constant 64 : i32
        %add3A_177 = arith.addi %add3A_175, %add3A_176 : i32
        %get3A_178 = arith.index_cast %add3A_177 : i32 to index
        %get3A_179 = tpu.vector_load %arg5[%get3A_178] {strides = array<i32>} : memref<25600xf32, #tpu.memory_space<vmem>>, vector<16xf32>,
        %get3A_180 = vector.shape_cast %get3A_179 : vector<16xf32> to vector<16xf32>
        %add3A_181 = arith.addf %add3A_171, %get3A_180 : vector<16xf32>
        %mul3A_182 = arith.constant 1024 : i32
        %mul3A_183 = arith.muli %scan3A_124, %mul3A_182 : i32
        %add3A_184 = arith.constant 0 : i32
        %add3A_185 = arith.addi %mul3A_183, %add3A_184 : i32
        %add3A_186 = arith.constant 80 : i32
        %add3A_187 = arith.addi %add3A_185, %add3A_186 : i32
        %get3A_188 = arith.index_cast %add3A_187 : i32 to index
        %get3A_189 = tpu.vector_load %arg5[%get3A_188] {strides = array<i32>} : memref<25600xf32, #tpu.memory_space<vmem>>, vector<16xf32>,
        %get3A_190 = vector.shape_cast %get3A_189 : vector<16xf32> to vector<16xf32>
        %add3A_191 = arith.addf %add3A_181, %get3A_190 : vector<16xf32>
        %mul3A_192 = arith.constant 1024 : i32
        %mul3A_193 = arith.muli %scan3A_124, %mul3A_192 : i32
        %add3A_194 = arith.constant 0 : i32
        %add3A_195 = arith.addi %mul3A_193, %add3A_194 : i32
        %add3A_196 = arith.constant 96 : i32
        %add3A_197 = arith.addi %add3A_195, %add3A_196 : i32
        %get3A_198 = arith.index_cast %add3A_197 : i32 to index
        %get3A_199 = tpu.vector_load %arg5[%get3A_198] {strides = array<i32>} : memref<25600xf32, #tpu.memory_space<vmem>>, vector<16xf32>,
        %get3A_200 = vector.shape_cast %get3A_199 : vector<16xf32> to vector<16xf32>
        %add3A_201 = arith.addf %add3A_191, %get3A_200 : vector<16xf32>
        %mul3A_202 = arith.constant 1024 : i32
        %mul3A_203 = arith.muli %scan3A_124, %mul3A_202 : i32
        %add3A_204 = arith.constant 0 : i32
        %add3A_205 = arith.addi %mul3A_203, %add3A_204 : i32
        %add3A_206 = arith.constant 112 : i32
        %add3A_207 = arith.addi %add3A_205, %add3A_206 : i32
        %get3A_208 = arith.index_cast %add3A_207 : i32 to index
        %get3A_209 = tpu.vector_load %arg5[%get3A_208] {strides = array<i32>} : memref<25600xf32, #tpu.memory_space<vmem>>, vector<16xf32>,
        %get3A_210 = vector.shape_cast %get3A_209 : vector<16xf32> to vector<16xf32>
        %add3A_211 = arith.addf %add3A_201, %get3A_210 : vector<16xf32>
        %mul3A_212 = arith.constant 1024 : i32
        %mul3A_213 = arith.muli %scan3A_124, %mul3A_212 : i32
        %add3A_214 = arith.constant 128 : i32
        %add3A_215 = arith.addi %mul3A_213, %add3A_214 : i32
        %add3A_216 = arith.constant 0 : i32
        %add3A_217 = arith.addi %add3A_215, %add3A_216 : i32
        %get3A_218 = arith.index_cast %add3A_217 : i32 to index
        %get3A_219 = tpu.vector_load %arg5[%get3A_218] {strides = array<i32>} : memref<25600xf32, #tpu.memory_space<vmem>>, vector<16xf32>,
        %get3A_220 = vector.shape_cast %get3A_219 : vector<16xf32> to vector<16xf32>
        %add3A_221 = arith.addf %scan3A_126, %get3A_220 : vector<16xf32>
        %mul3A_222 = arith.constant 1024 : i32
        %mul3A_223 = arith.muli %scan3A_124, %mul3A_222 : i32
        %add3A_224 = arith.constant 128 : i32
        %add3A_225 = arith.addi %mul3A_223, %add3A_224 : i32
        %add3A_226 = arith.constant 16 : i32
        %add3A_227 = arith.addi %add3A_225, %add3A_226 : i32
        %get3A_228 = arith.index_cast %add3A_227 : i32 to index
        %get3A_229 = tpu.vector_load %arg5[%get3A_228] {strides = array<i32>} : memref<25600xf32, #tpu.memory_space<vmem>>, vector<16xf32>,
        %get3A_230 = vector.shape_cast %get3A_229 : vector<16xf32> to vector<16xf32>
        %add3A_231 = arith.addf %add3A_221, %get3A_230 : vector<16xf32>
        %mul3A_232 = arith.constant 1024 : i32
        %mul3A_233 = arith.muli %scan3A_124, %mul3A_232 : i32
        %add3A_234 = arith.constant 128 : i32
        %add3A_235 = arith.addi %mul3A_233, %add3A_234 : i32
        %add3A_236 = arith.constant 32 : i32
        %add3A_237 = arith.addi %add3A_235, %add3A_236 : i32
        %get3A_238 = arith.index_cast %add3A_237 : i32 to index
        %get3A_239 = tpu.vector_load %arg5[%get3A_238] {strides = array<i32>} : memref<25600xf32, #tpu.memory_space<vmem>>, vector<16xf32>,
        %get3A_240 = vector.shape_cast %get3A_239 : vector<16xf32> to vector<16xf32>
        %add3A_241 = arith.addf %add3A_231, %get3A_240 : vector<16xf32>
        %mul3A_242 = arith.constant 1024 : i32
        %mul3A_243 = arith.muli %scan3A_124, %mul3A_242 : i32
        %add3A_244 = arith.constant 128 : i32
        %add3A_245 = arith.addi %mul3A_243, %add3A_244 : i32
        %add3A_246 = arith.constant 48 : i32
        %add3A_247 = arith.addi %add3A_245, %add3A_246 : i32
        %get3A_248 = arith.index_cast %add3A_247 : i32 to index
        %get3A_249 = tpu.vector_load %arg5[%get3A_248] {strides = array<i32>} : memref<25600xf32, #tpu.memory_space<vmem>>, vector<16xf32>,
        %get3A_250 = vector.shape_cast %get3A_249 : vector<16xf32> to vector<16xf32>
        %add3A_251 = arith.addf %add3A_241, %get3A_250 : vector<16xf32>
        %mul3A_252 = arith.constant 1024 : i32
        %mul3A_253 = arith.muli %scan3A_124, %mul3A_252 : i32
        %add3A_254 = arith.constant 128 : i32
        %add3A_255 = arith.addi %mul3A_253, %add3A_254 : i32
        %add3A_256 = arith.constant 64 : i32
        %add3A_257 = arith.addi %add3A_255, %add3A_256 : i32
        %get3A_258 = arith.index_cast %add3A_257 : i32 to index
        %get3A_259 = tpu.vector_load %arg5[%get3A_258] {strides = array<i32>} : memref<25600xf32, #tpu.memory_space<vmem>>, vector<16xf32>,
        %get3A_260 = vector.shape_cast %get3A_259 : vector<16xf32> to vector<16xf32>
        %add3A_261 = arith.addf %add3A_251, %get3A_260 : vector<16xf32>
        %mul3A_262 = arith.constant 1024 : i32
        %mul3A_263 = arith.muli %scan3A_124, %mul3A_262 : i32
        %add3A_264 = arith.constant 128 : i32
        %add3A_265 = arith.addi %mul3A_263, %add3A_264 : i32
        %add3A_266 = arith.constant 80 : i32
        %add3A_267 = arith.addi %add3A_265, %add3A_266 : i32
        %get3A_268 = arith.index_cast %add3A_267 : i32 to index
        %get3A_269 = tpu.vector_load %arg5[%get3A_268] {strides = array<i32>} : memref<25600xf32, #tpu.memory_space<vmem>>, vector<16xf32>,
        %get3A_270 = vector.shape_cast %get3A_269 : vector<16xf32> to vector<16xf32>
        %add3A_271 = arith.addf %add3A_261, %get3A_270 : vector<16xf32>
        %mul3A_272 = arith.constant 1024 : i32
        %mul3A_273 = arith.muli %scan3A_124, %mul3A_272 : i32
        %add3A_274 = arith.constant 128 : i32
        %add3A_275 = arith.addi %mul3A_273, %add3A_274 : i32
        %add3A_276 = arith.constant 96 : i32
        %add3A_277 = arith.addi %add3A_275, %add3A_276 : i32
        %get3A_278 = arith.index_cast %add3A_277 : i32 to index
        %get3A_279 = tpu.vector_load %arg5[%get3A_278] {strides = array<i32>} : memref<25600xf32, #tpu.memory_space<vmem>>, vector<16xf32>,
        %get3A_280 = vector.shape_cast %get3A_279 : vector<16xf32> to vector<16xf32>
        %add3A_281 = arith.addf %add3A_271, %get3A_280 : vector<16xf32>
        %mul3A_282 = arith.constant 1024 : i32
        %mul3A_283 = arith.muli %scan3A_124, %mul3A_282 : i32
        %add3A_284 = arith.constant 128 : i32
        %add3A_285 = arith.addi %mul3A_283, %add3A_284 : i32
        %add3A_286 = arith.constant 112 : i32
        %add3A_287 = arith.addi %add3A_285, %add3A_286 : i32
        %get3A_288 = arith.index_cast %add3A_287 : i32 to index
        %get3A_289 = tpu.vector_load %arg5[%get3A_288] {strides = array<i32>} : memref<25600xf32, #tpu.memory_space<vmem>>, vector<16xf32>,
        %get3A_290 = vector.shape_cast %get3A_289 : vector<16xf32> to vector<16xf32>
        %add3A_291 = arith.addf %add3A_281, %get3A_290 : vector<16xf32>
        %mul3A_292 = arith.constant 1024 : i32
        %mul3A_293 = arith.muli %scan3A_124, %mul3A_292 : i32
        %add3A_294 = arith.constant 256 : i32
        %add3A_295 = arith.addi %mul3A_293, %add3A_294 : i32
        %add3A_296 = arith.constant 0 : i32
        %add3A_297 = arith.addi %add3A_295, %add3A_296 : i32
        %get3A_298 = arith.index_cast %add3A_297 : i32 to index
        %get3A_299 = tpu.vector_load %arg5[%get3A_298] {strides = array<i32>} : memref<25600xf32, #tpu.memory_space<vmem>>, vector<16xf32>,
        %get3A_300 = vector.shape_cast %get3A_299 : vector<16xf32> to vector<16xf32>
        %add3A_301 = arith.addf %scan3A_127, %get3A_300 : vector<16xf32>
        %mul3A_302 = arith.constant 1024 : i32
        %mul3A_303 = arith.muli %scan3A_124, %mul3A_302 : i32
        %add3A_304 = arith.constant 256 : i32
        %add3A_305 = arith.addi %mul3A_303, %add3A_304 : i32
        %add3A_306 = arith.constant 16 : i32
        %add3A_307 = arith.addi %add3A_305, %add3A_306 : i32
        %get3A_308 = arith.index_cast %add3A_307 : i32 to index
        %get3A_309 = tpu.vector_load %arg5[%get3A_308] {strides = array<i32>} : memref<25600xf32, #tpu.memory_space<vmem>>, vector<16xf32>,
        %get3A_310 = vector.shape_cast %get3A_309 : vector<16xf32> to vector<16xf32>
        %add3A_311 = arith.addf %add3A_301, %get3A_310 : vector<16xf32>
        %mul3A_312 = arith.constant 1024 : i32
        %mul3A_313 = arith.muli %scan3A_124, %mul3A_312 : i32
        %add3A_314 = arith.constant 256 : i32
        %add3A_315 = arith.addi %mul3A_313, %add3A_314 : i32
        %add3A_316 = arith.constant 32 : i32
        %add3A_317 = arith.addi %add3A_315, %add3A_316 : i32
        %get3A_318 = arith.index_cast %add3A_317 : i32 to index
        %get3A_319 = tpu.vector_load %arg5[%get3A_318] {strides = array<i32>} : memref<25600xf32, #tpu.memory_space<vmem>>, vector<16xf32>,
        %get3A_320 = vector.shape_cast %get3A_319 : vector<16xf32> to vector<16xf32>
        %add3A_321 = arith.addf %add3A_311, %get3A_320 : vector<16xf32>
        %mul3A_322 = arith.constant 1024 : i32
        %mul3A_323 = arith.muli %scan3A_124, %mul3A_322 : i32
        %add3A_324 = arith.constant 256 : i32
        %add3A_325 = arith.addi %mul3A_323, %add3A_324 : i32
        %add3A_326 = arith.constant 48 : i32
        %add3A_327 = arith.addi %add3A_325, %add3A_326 : i32
        %get3A_328 = arith.index_cast %add3A_327 : i32 to index
        %get3A_329 = tpu.vector_load %arg5[%get3A_328] {strides = array<i32>} : memref<25600xf32, #tpu.memory_space<vmem>>, vector<16xf32>,
        %get3A_330 = vector.shape_cast %get3A_329 : vector<16xf32> to vector<16xf32>
        %add3A_331 = arith.addf %add3A_321, %get3A_330 : vector<16xf32>
        %mul3A_332 = arith.constant 1024 : i32
        %mul3A_333 = arith.muli %scan3A_124, %mul3A_332 : i32
        %add3A_334 = arith.constant 256 : i32
        %add3A_335 = arith.addi %mul3A_333, %add3A_334 : i32
        %add3A_336 = arith.constant 64 : i32
        %add3A_337 = arith.addi %add3A_335, %add3A_336 : i32
        %get3A_338 = arith.index_cast %add3A_337 : i32 to index
        %get3A_339 = tpu.vector_load %arg5[%get3A_338] {strides = array<i32>} : memref<25600xf32, #tpu.memory_space<vmem>>, vector<16xf32>,
        %get3A_340 = vector.shape_cast %get3A_339 : vector<16xf32> to vector<16xf32>
        %add3A_341 = arith.addf %add3A_331, %get3A_340 : vector<16xf32>
        %mul3A_342 = arith.constant 1024 : i32
        %mul3A_343 = arith.muli %scan3A_124, %mul3A_342 : i32
        %add3A_344 = arith.constant 256 : i32
        %add3A_345 = arith.addi %mul3A_343, %add3A_344 : i32
        %add3A_346 = arith.constant 80 : i32
        %add3A_347 = arith.addi %add3A_345, %add3A_346 : i32
        %get3A_348 = arith.index_cast %add3A_347 : i32 to index
        %get3A_349 = tpu.vector_load %arg5[%get3A_348] {strides = array<i32>} : memref<25600xf32, #tpu.memory_space<vmem>>, vector<16xf32>,
        %get3A_350 = vector.shape_cast %get3A_349 : vector<16xf32> to vector<16xf32>
        %add3A_351 = arith.addf %add3A_341, %get3A_350 : vector<16xf32>
        %mul3A_352 = arith.constant 1024 : i32
        %mul3A_353 = arith.muli %scan3A_124, %mul3A_352 : i32
        %add3A_354 = arith.constant 256 : i32
        %add3A_355 = arith.addi %mul3A_353, %add3A_354 : i32
        %add3A_356 = arith.constant 96 : i32
        %add3A_357 = arith.addi %add3A_355, %add3A_356 : i32
        %get3A_358 = arith.index_cast %add3A_357 : i32 to index
        %get3A_359 = tpu.vector_load %arg5[%get3A_358] {strides = array<i32>} : memref<25600xf32, #tpu.memory_space<vmem>>, vector<16xf32>,
        %get3A_360 = vector.shape_cast %get3A_359 : vector<16xf32> to vector<16xf32>
        %add3A_361 = arith.addf %add3A_351, %get3A_360 : vector<16xf32>
        %mul3A_362 = arith.constant 1024 : i32
        %mul3A_363 = arith.muli %scan3A_124, %mul3A_362 : i32
        %add3A_364 = arith.constant 256 : i32
        %add3A_365 = arith.addi %mul3A_363, %add3A_364 : i32
        %add3A_366 = arith.constant 112 : i32
        %add3A_367 = arith.addi %add3A_365, %add3A_366 : i32
        %get3A_368 = arith.index_cast %add3A_367 : i32 to index
        %get3A_369 = tpu.vector_load %arg5[%get3A_368] {strides = array<i32>} : memref<25600xf32, #tpu.memory_space<vmem>>, vector<16xf32>,
        %get3A_370 = vector.shape_cast %get3A_369 : vector<16xf32> to vector<16xf32>
        %add3A_371 = arith.addf %add3A_361, %get3A_370 : vector<16xf32>
        %mul3A_372 = arith.constant 1024 : i32
        %mul3A_373 = arith.muli %scan3A_124, %mul3A_372 : i32
        %add3A_374 = arith.constant 384 : i32
        %add3A_375 = arith.addi %mul3A_373, %add3A_374 : i32
        %add3A_376 = arith.constant 0 : i32
        %add3A_377 = arith.addi %add3A_375, %add3A_376 : i32
        %get3A_378 = arith.index_cast %add3A_377 : i32 to index
        %get3A_379 = tpu.vector_load %arg5[%get3A_378] {strides = array<i32>} : memref<25600xf32, #tpu.memory_space<vmem>>, vector<16xf32>,
        %get3A_380 = vector.shape_cast %get3A_379 : vector<16xf32> to vector<16xf32>
        %add3A_381 = arith.addf %scan3A_128, %get3A_380 : vector<16xf32>
        %mul3A_382 = arith.constant 1024 : i32
        %mul3A_383 = arith.muli %scan3A_124, %mul3A_382 : i32
        %add3A_384 = arith.constant 384 : i32
        %add3A_385 = arith.addi %mul3A_383, %add3A_384 : i32
        %add3A_386 = arith.constant 16 : i32
        %add3A_387 = arith.addi %add3A_385, %add3A_386 : i32
        %get3A_388 = arith.index_cast %add3A_387 : i32 to index
        %get3A_389 = tpu.vector_load %arg5[%get3A_388] {strides = array<i32>} : memref<25600xf32, #tpu.memory_space<vmem>>, vector<16xf32>,
        %get3A_390 = vector.shape_cast %get3A_389 : vector<16xf32> to vector<16xf32>
        %add3A_391 = arith.addf %add3A_381, %get3A_390 : vector<16xf32>
        %mul3A_392 = arith.constant 1024 : i32
        %mul3A_393 = arith.muli %scan3A_124, %mul3A_392 : i32
        %add3A_394 = arith.constant 384 : i32
        %add3A_395 = arith.addi %mul3A_393, %add3A_394 : i32
        %add3A_396 = arith.constant 32 : i32
        %add3A_397 = arith.addi %add3A_395, %add3A_396 : i32
        %get3A_398 = arith.index_cast %add3A_397 : i32 to index
        %get3A_399 = tpu.vector_load %arg5[%get3A_398] {strides = array<i32>} : memref<25600xf32, #tpu.memory_space<vmem>>, vector<16xf32>,
        %get3A_400 = vector.shape_cast %get3A_399 : vector<16xf32> to vector<16xf32>
        %add3A_401 = arith.addf %add3A_391, %get3A_400 : vector<16xf32>
        %mul3A_402 = arith.constant 1024 : i32
        %mul3A_403 = arith.muli %scan3A_124, %mul3A_402 : i32
        %add3A_404 = arith.constant 384 : i32
        %add3A_405 = arith.addi %mul3A_403, %add3A_404 : i32
        %add3A_406 = arith.constant 48 : i32
        %add3A_407 = arith.addi %add3A_405, %add3A_406 : i32
        %get3A_408 = arith.index_cast %add3A_407 : i32 to index
        %get3A_409 = tpu.vector_load %arg5[%get3A_408] {strides = array<i32>} : memref<25600xf32, #tpu.memory_space<vmem>>, vector<16xf32>,
        %get3A_410 = vector.shape_cast %get3A_409 : vector<16xf32> to vector<16xf32>
        %add3A_411 = arith.addf %add3A_401, %get3A_410 : vector<16xf32>
        %mul3A_412 = arith.constant 1024 : i32
        %mul3A_413 = arith.muli %scan3A_124, %mul3A_412 : i32
        %add3A_414 = arith.constant 384 : i32
        %add3A_415 = arith.addi %mul3A_413, %add3A_414 : i32
        %add3A_416 = arith.constant 64 : i32
        %add3A_417 = arith.addi %add3A_415, %add3A_416 : i32
        %get3A_418 = arith.index_cast %add3A_417 : i32 to index
        %get3A_419 = tpu.vector_load %arg5[%get3A_418] {strides = array<i32>} : memref<25600xf32, #tpu.memory_space<vmem>>, vector<16xf32>,
        %get3A_420 = vector.shape_cast %get3A_419 : vector<16xf32> to vector<16xf32>
        %add3A_421 = arith.addf %add3A_411, %get3A_420 : vector<16xf32>
        %mul3A_422 = arith.constant 1024 : i32
        %mul3A_423 = arith.muli %scan3A_124, %mul3A_422 : i32
        %add3A_424 = arith.constant 384 : i32
        %add3A_425 = arith.addi %mul3A_423, %add3A_424 : i32
        %add3A_426 = arith.constant 80 : i32
        %add3A_427 = arith.addi %add3A_425, %add3A_426 : i32
        %get3A_428 = arith.index_cast %add3A_427 : i32 to index
        %get3A_429 = tpu.vector_load %arg5[%get3A_428] {strides = array<i32>} : memref<25600xf32, #tpu.memory_space<vmem>>, vector<16xf32>,
        %get3A_430 = vector.shape_cast %get3A_429 : vector<16xf32> to vector<16xf32>
        %add3A_431 = arith.addf %add3A_421, %get3A_430 : vector<16xf32>
        %mul3A_432 = arith.constant 1024 : i32
        %mul3A_433 = arith.muli %scan3A_124, %mul3A_432 : i32
        %add3A_434 = arith.constant 384 : i32
        %add3A_435 = arith.addi %mul3A_433, %add3A_434 : i32
        %add3A_436 = arith.constant 96 : i32
        %add3A_437 = arith.addi %add3A_435, %add3A_436 : i32
        %get3A_438 = arith.index_cast %add3A_437 : i32 to index
        %get3A_439 = tpu.vector_load %arg5[%get3A_438] {strides = array<i32>} : memref<25600xf32, #tpu.memory_space<vmem>>, vector<16xf32>,
        %get3A_440 = vector.shape_cast %get3A_439 : vector<16xf32> to vector<16xf32>
        %add3A_441 = arith.addf %add3A_431, %get3A_440 : vector<16xf32>
        %mul3A_442 = arith.constant 1024 : i32
        %mul3A_443 = arith.muli %scan3A_124, %mul3A_442 : i32
        %add3A_444 = arith.constant 384 : i32
        %add3A_445 = arith.addi %mul3A_443, %add3A_444 : i32
        %add3A_446 = arith.constant 112 : i32
        %add3A_447 = arith.addi %add3A_445, %add3A_446 : i32
        %get3A_448 = arith.index_cast %add3A_447 : i32 to index
        %get3A_449 = tpu.vector_load %arg5[%get3A_448] {strides = array<i32>} : memref<25600xf32, #tpu.memory_space<vmem>>, vector<16xf32>,
        %get3A_450 = vector.shape_cast %get3A_449 : vector<16xf32> to vector<16xf32>
        %add3A_451 = arith.addf %add3A_441, %get3A_450 : vector<16xf32>
        %mul3A_452 = arith.constant 1024 : i32
        %mul3A_453 = arith.muli %scan3A_124, %mul3A_452 : i32
        %add3A_454 = arith.constant 512 : i32
        %add3A_455 = arith.addi %mul3A_453, %add3A_454 : i32
        %add3A_456 = arith.constant 0 : i32
        %add3A_457 = arith.addi %add3A_455, %add3A_456 : i32
        %get3A_458 = arith.index_cast %add3A_457 : i32 to index
        %get3A_459 = tpu.vector_load %arg5[%get3A_458] {strides = array<i32>} : memref<25600xf32, #tpu.memory_space<vmem>>, vector<16xf32>,
        %get3A_460 = vector.shape_cast %get3A_459 : vector<16xf32> to vector<16xf32>
        %add3A_461 = arith.addf %scan3A_129, %get3A_460 : vector<16xf32>
        %mul3A_462 = arith.constant 1024 : i32
        %mul3A_463 = arith.muli %scan3A_124, %mul3A_462 : i32
        %add3A_464 = arith.constant 512 : i32
        %add3A_465 = arith.addi %mul3A_463, %add3A_464 : i32
        %add3A_466 = arith.constant 16 : i32
        %add3A_467 = arith.addi %add3A_465, %add3A_466 : i32
        %get3A_468 = arith.index_cast %add3A_467 : i32 to index
        %get3A_469 = tpu.vector_load %arg5[%get3A_468] {strides = array<i32>} : memref<25600xf32, #tpu.memory_space<vmem>>, vector<16xf32>,
        %get3A_470 = vector.shape_cast %get3A_469 : vector<16xf32> to vector<16xf32>
        %add3A_471 = arith.addf %add3A_461, %get3A_470 : vector<16xf32>
        %mul3A_472 = arith.constant 1024 : i32
        %mul3A_473 = arith.muli %scan3A_124, %mul3A_472 : i32
        %add3A_474 = arith.constant 512 : i32
        %add3A_475 = arith.addi %mul3A_473, %add3A_474 : i32
        %add3A_476 = arith.constant 32 : i32
        %add3A_477 = arith.addi %add3A_475, %add3A_476 : i32
        %get3A_478 = arith.index_cast %add3A_477 : i32 to index
        %get3A_479 = tpu.vector_load %arg5[%get3A_478] {strides = array<i32>} : memref<25600xf32, #tpu.memory_space<vmem>>, vector<16xf32>,
        %get3A_480 = vector.shape_cast %get3A_479 : vector<16xf32> to vector<16xf32>
        %add3A_481 = arith.addf %add3A_471, %get3A_480 : vector<16xf32>
        %mul3A_482 = arith.constant 1024 : i32
        %mul3A_483 = arith.muli %scan3A_124, %mul3A_482 : i32
        %add3A_484 = arith.constant 512 : i32
        %add3A_485 = arith.addi %mul3A_483, %add3A_484 : i32
        %add3A_486 = arith.constant 48 : i32
        %add3A_487 = arith.addi %add3A_485, %add3A_486 : i32
        %get3A_488 = arith.index_cast %add3A_487 : i32 to index
        %get3A_489 = tpu.vector_load %arg5[%get3A_488] {strides = array<i32>} : memref<25600xf32, #tpu.memory_space<vmem>>, vector<16xf32>,
        %get3A_490 = vector.shape_cast %get3A_489 : vector<16xf32> to vector<16xf32>
        %add3A_491 = arith.addf %add3A_481, %get3A_490 : vector<16xf32>
        %mul3A_492 = arith.constant 1024 : i32
        %mul3A_493 = arith.muli %scan3A_124, %mul3A_492 : i32
        %add3A_494 = arith.constant 512 : i32
        %add3A_495 = arith.addi %mul3A_493, %add3A_494 : i32
        %add3A_496 = arith.constant 64 : i32
        %add3A_497 = arith.addi %add3A_495, %add3A_496 : i32
        %get3A_498 = arith.index_cast %add3A_497 : i32 to index
        %get3A_499 = tpu.vector_load %arg5[%get3A_498] {strides = array<i32>} : memref<25600xf32, #tpu.memory_space<vmem>>, vector<16xf32>,
        %get3A_500 = vector.shape_cast %get3A_499 : vector<16xf32> to vector<16xf32>
        %add3A_501 = arith.addf %add3A_491, %get3A_500 : vector<16xf32>
        %mul3A_502 = arith.constant 1024 : i32
        %mul3A_503 = arith.muli %scan3A_124, %mul3A_502 : i32
        %add3A_504 = arith.constant 512 : i32
        %add3A_505 = arith.addi %mul3A_503, %add3A_504 : i32
        %add3A_506 = arith.constant 80 : i32
        %add3A_507 = arith.addi %add3A_505, %add3A_506 : i32
        %get3A_508 = arith.index_cast %add3A_507 : i32 to index
        %get3A_509 = tpu.vector_load %arg5[%get3A_508] {strides = array<i32>} : memref<25600xf32, #tpu.memory_space<vmem>>, vector<16xf32>,
        %get3A_510 = vector.shape_cast %get3A_509 : vector<16xf32> to vector<16xf32>
        %add3A_511 = arith.addf %add3A_501, %get3A_510 : vector<16xf32>
        %mul3A_512 = arith.constant 1024 : i32
        %mul3A_513 = arith.muli %scan3A_124, %mul3A_512 : i32
        %add3A_514 = arith.constant 512 : i32
        %add3A_515 = arith.addi %mul3A_513, %add3A_514 : i32
        %add3A_516 = arith.constant 96 : i32
        %add3A_517 = arith.addi %add3A_515, %add3A_516 : i32
        %get3A_518 = arith.index_cast %add3A_517 : i32 to index
        %get3A_519 = tpu.vector_load %arg5[%get3A_518] {strides = array<i32>} : memref<25600xf32, #tpu.memory_space<vmem>>, vector<16xf32>,
        %get3A_520 = vector.shape_cast %get3A_519 : vector<16xf32> to vector<16xf32>
        %add3A_521 = arith.addf %add3A_511, %get3A_520 : vector<16xf32>
        %mul3A_522 = arith.constant 1024 : i32
        %mul3A_523 = arith.muli %scan3A_124, %mul3A_522 : i32
        %add3A_524 = arith.constant 512 : i32
        %add3A_525 = arith.addi %mul3A_523, %add3A_524 : i32
        %add3A_526 = arith.constant 112 : i32
        %add3A_527 = arith.addi %add3A_525, %add3A_526 : i32
        %get3A_528 = arith.index_cast %add3A_527 : i32 to index
        %get3A_529 = tpu.vector_load %arg5[%get3A_528] {strides = array<i32>} : memref<25600xf32, #tpu.memory_space<vmem>>, vector<16xf32>,
        %get3A_530 = vector.shape_cast %get3A_529 : vector<16xf32> to vector<16xf32>
        %add3A_531 = arith.addf %add3A_521, %get3A_530 : vector<16xf32>
        %mul3A_532 = arith.constant 1024 : i32
        %mul3A_533 = arith.muli %scan3A_124, %mul3A_532 : i32
        %add3A_534 = arith.constant 640 : i32
        %add3A_535 = arith.addi %mul3A_533, %add3A_534 : i32
        %add3A_536 = arith.constant 0 : i32
        %add3A_537 = arith.addi %add3A_535, %add3A_536 : i32
        %get3A_538 = arith.index_cast %add3A_537 : i32 to index
        %get3A_539 = tpu.vector_load %arg5[%get3A_538] {strides = array<i32>} : memref<25600xf32, #tpu.memory_space<vmem>>, vector<16xf32>,
        %get3A_540 = vector.shape_cast %get3A_539 : vector<16xf32> to vector<16xf32>
        %add3A_541 = arith.addf %scan3A_130, %get3A_540 : vector<16xf32>
        %mul3A_542 = arith.constant 1024 : i32
        %mul3A_543 = arith.muli %scan3A_124, %mul3A_542 : i32
        %add3A_544 = arith.constant 640 : i32
        %add3A_545 = arith.addi %mul3A_543, %add3A_544 : i32
        %add3A_546 = arith.constant 16 : i32
        %add3A_547 = arith.addi %add3A_545, %add3A_546 : i32
        %get3A_548 = arith.index_cast %add3A_547 : i32 to index
        %get3A_549 = tpu.vector_load %arg5[%get3A_548] {strides = array<i32>} : memref<25600xf32, #tpu.memory_space<vmem>>, vector<16xf32>,
        %get3A_550 = vector.shape_cast %get3A_549 : vector<16xf32> to vector<16xf32>
        %add3A_551 = arith.addf %add3A_541, %get3A_550 : vector<16xf32>
        %mul3A_552 = arith.constant 1024 : i32
        %mul3A_553 = arith.muli %scan3A_124, %mul3A_552 : i32
        %add3A_554 = arith.constant 640 : i32
        %add3A_555 = arith.addi %mul3A_553, %add3A_554 : i32
        %add3A_556 = arith.constant 32 : i32
        %add3A_557 = arith.addi %add3A_555, %add3A_556 : i32
        %get3A_558 = arith.index_cast %add3A_557 : i32 to index
        %get3A_559 = tpu.vector_load %arg5[%get3A_558] {strides = array<i32>} : memref<25600xf32, #tpu.memory_space<vmem>>, vector<16xf32>,
        %get3A_560 = vector.shape_cast %get3A_559 : vector<16xf32> to vector<16xf32>
        %add3A_561 = arith.addf %add3A_551, %get3A_560 : vector<16xf32>
        %mul3A_562 = arith.constant 1024 : i32
        %mul3A_563 = arith.muli %scan3A_124, %mul3A_562 : i32
        %add3A_564 = arith.constant 640 : i32
        %add3A_565 = arith.addi %mul3A_563, %add3A_564 : i32
        %add3A_566 = arith.constant 48 : i32
        %add3A_567 = arith.addi %add3A_565, %add3A_566 : i32
        %get3A_568 = arith.index_cast %add3A_567 : i32 to index
        %get3A_569 = tpu.vector_load %arg5[%get3A_568] {strides = array<i32>} : memref<25600xf32, #tpu.memory_space<vmem>>, vector<16xf32>,
        %get3A_570 = vector.shape_cast %get3A_569 : vector<16xf32> to vector<16xf32>
        %add3A_571 = arith.addf %add3A_561, %get3A_570 : vector<16xf32>
        %mul3A_572 = arith.constant 1024 : i32
        %mul3A_573 = arith.muli %scan3A_124, %mul3A_572 : i32
        %add3A_574 = arith.constant 640 : i32
        %add3A_575 = arith.addi %mul3A_573, %add3A_574 : i32
        %add3A_576 = arith.constant 64 : i32
        %add3A_577 = arith.addi %add3A_575, %add3A_576 : i32
        %get3A_578 = arith.index_cast %add3A_577 : i32 to index
        %get3A_579 = tpu.vector_load %arg5[%get3A_578] {strides = array<i32>} : memref<25600xf32, #tpu.memory_space<vmem>>, vector<16xf32>,
        %get3A_580 = vector.shape_cast %get3A_579 : vector<16xf32> to vector<16xf32>
        %add3A_581 = arith.addf %add3A_571, %get3A_580 : vector<16xf32>
        %mul3A_582 = arith.constant 1024 : i32
        %mul3A_583 = arith.muli %scan3A_124, %mul3A_582 : i32
        %add3A_584 = arith.constant 640 : i32
        %add3A_585 = arith.addi %mul3A_583, %add3A_584 : i32
        %add3A_586 = arith.constant 80 : i32
        %add3A_587 = arith.addi %add3A_585, %add3A_586 : i32
        %get3A_588 = arith.index_cast %add3A_587 : i32 to index
        %get3A_589 = tpu.vector_load %arg5[%get3A_588] {strides = array<i32>} : memref<25600xf32, #tpu.memory_space<vmem>>, vector<16xf32>,
        %get3A_590 = vector.shape_cast %get3A_589 : vector<16xf32> to vector<16xf32>
        %add3A_591 = arith.addf %add3A_581, %get3A_590 : vector<16xf32>
        %mul3A_592 = arith.constant 1024 : i32
        %mul3A_593 = arith.muli %scan3A_124, %mul3A_592 : i32
        %add3A_594 = arith.constant 640 : i32
        %add3A_595 = arith.addi %mul3A_593, %add3A_594 : i32
        %add3A_596 = arith.constant 96 : i32
        %add3A_597 = arith.addi %add3A_595, %add3A_596 : i32
        %get3A_598 = arith.index_cast %add3A_597 : i32 to index
        %get3A_599 = tpu.vector_load %arg5[%get3A_598] {strides = array<i32>} : memref<25600xf32, #tpu.memory_space<vmem>>, vector<16xf32>,
        %get3A_600 = vector.shape_cast %get3A_599 : vector<16xf32> to vector<16xf32>
        %add3A_601 = arith.addf %add3A_591, %get3A_600 : vector<16xf32>
        %mul3A_602 = arith.constant 1024 : i32
        %mul3A_603 = arith.muli %scan3A_124, %mul3A_602 : i32
        %add3A_604 = arith.constant 640 : i32
        %add3A_605 = arith.addi %mul3A_603, %add3A_604 : i32
        %add3A_606 = arith.constant 112 : i32
        %add3A_607 = arith.addi %add3A_605, %add3A_606 : i32
        %get3A_608 = arith.index_cast %add3A_607 : i32 to index
        %get3A_609 = tpu.vector_load %arg5[%get3A_608] {strides = array<i32>} : memref<25600xf32, #tpu.memory_space<vmem>>, vector<16xf32>,
        %get3A_610 = vector.shape_cast %get3A_609 : vector<16xf32> to vector<16xf32>
        %add3A_611 = arith.addf %add3A_601, %get3A_610 : vector<16xf32>
        %mul3A_612 = arith.constant 1024 : i32
        %mul3A_613 = arith.muli %scan3A_124, %mul3A_612 : i32
        %add3A_614 = arith.constant 768 : i32
        %add3A_615 = arith.addi %mul3A_613, %add3A_614 : i32
        %add3A_616 = arith.constant 0 : i32
        %add3A_617 = arith.addi %add3A_615, %add3A_616 : i32
        %get3A_618 = arith.index_cast %add3A_617 : i32 to index
        %get3A_619 = tpu.vector_load %arg5[%get3A_618] {strides = array<i32>} : memref<25600xf32, #tpu.memory_space<vmem>>, vector<16xf32>,
        %get3A_620 = vector.shape_cast %get3A_619 : vector<16xf32> to vector<16xf32>
        %add3A_621 = arith.addf %scan3A_131, %get3A_620 : vector<16xf32>
        %mul3A_622 = arith.constant 1024 : i32
        %mul3A_623 = arith.muli %scan3A_124, %mul3A_622 : i32
        %add3A_624 = arith.constant 768 : i32
        %add3A_625 = arith.addi %mul3A_623, %add3A_624 : i32
        %add3A_626 = arith.constant 16 : i32
        %add3A_627 = arith.addi %add3A_625, %add3A_626 : i32
        %get3A_628 = arith.index_cast %add3A_627 : i32 to index
        %get3A_629 = tpu.vector_load %arg5[%get3A_628] {strides = array<i32>} : memref<25600xf32, #tpu.memory_space<vmem>>, vector<16xf32>,
        %get3A_630 = vector.shape_cast %get3A_629 : vector<16xf32> to vector<16xf32>
        %add3A_631 = arith.addf %add3A_621, %get3A_630 : vector<16xf32>
        %mul3A_632 = arith.constant 1024 : i32
        %mul3A_633 = arith.muli %scan3A_124, %mul3A_632 : i32
        %add3A_634 = arith.constant 768 : i32
        %add3A_635 = arith.addi %mul3A_633, %add3A_634 : i32
        %add3A_636 = arith.constant 32 : i32
        %add3A_637 = arith.addi %add3A_635, %add3A_636 : i32
        %get3A_638 = arith.index_cast %add3A_637 : i32 to index
        %get3A_639 = tpu.vector_load %arg5[%get3A_638] {strides = array<i32>} : memref<25600xf32, #tpu.memory_space<vmem>>, vector<16xf32>,
        %get3A_640 = vector.shape_cast %get3A_639 : vector<16xf32> to vector<16xf32>
        %add3A_641 = arith.addf %add3A_631, %get3A_640 : vector<16xf32>
        %mul3A_642 = arith.constant 1024 : i32
        %mul3A_643 = arith.muli %scan3A_124, %mul3A_642 : i32
        %add3A_644 = arith.constant 768 : i32
        %add3A_645 = arith.addi %mul3A_643, %add3A_644 : i32
        %add3A_646 = arith.constant 48 : i32
        %add3A_647 = arith.addi %add3A_645, %add3A_646 : i32
        %get3A_648 = arith.index_cast %add3A_647 : i32 to index
        %get3A_649 = tpu.vector_load %arg5[%get3A_648] {strides = array<i32>} : memref<25600xf32, #tpu.memory_space<vmem>>, vector<16xf32>,
        %get3A_650 = vector.shape_cast %get3A_649 : vector<16xf32> to vector<16xf32>
        %add3A_651 = arith.addf %add3A_641, %get3A_650 : vector<16xf32>
        %mul3A_652 = arith.constant 1024 : i32
        %mul3A_653 = arith.muli %scan3A_124, %mul3A_652 : i32
        %add3A_654 = arith.constant 768 : i32
        %add3A_655 = arith.addi %mul3A_653, %add3A_654 : i32
        %add3A_656 = arith.constant 64 : i32
        %add3A_657 = arith.addi %add3A_655, %add3A_656 : i32
        %get3A_658 = arith.index_cast %add3A_657 : i32 to index
        %get3A_659 = tpu.vector_load %arg5[%get3A_658] {strides = array<i32>} : memref<25600xf32, #tpu.memory_space<vmem>>, vector<16xf32>,
        %get3A_660 = vector.shape_cast %get3A_659 : vector<16xf32> to vector<16xf32>
        %add3A_661 = arith.addf %add3A_651, %get3A_660 : vector<16xf32>
        %mul3A_662 = arith.constant 1024 : i32
        %mul3A_663 = arith.muli %scan3A_124, %mul3A_662 : i32
        %add3A_664 = arith.constant 768 : i32
        %add3A_665 = arith.addi %mul3A_663, %add3A_664 : i32
        %add3A_666 = arith.constant 80 : i32
        %add3A_667 = arith.addi %add3A_665, %add3A_666 : i32
        %get3A_668 = arith.index_cast %add3A_667 : i32 to index
        %get3A_669 = tpu.vector_load %arg5[%get3A_668] {strides = array<i32>} : memref<25600xf32, #tpu.memory_space<vmem>>, vector<16xf32>,
        %get3A_670 = vector.shape_cast %get3A_669 : vector<16xf32> to vector<16xf32>
        %add3A_671 = arith.addf %add3A_661, %get3A_670 : vector<16xf32>
        %mul3A_672 = arith.constant 1024 : i32
        %mul3A_673 = arith.muli %scan3A_124, %mul3A_672 : i32
        %add3A_674 = arith.constant 768 : i32
        %add3A_675 = arith.addi %mul3A_673, %add3A_674 : i32
        %add3A_676 = arith.constant 96 : i32
        %add3A_677 = arith.addi %add3A_675, %add3A_676 : i32
        %get3A_678 = arith.index_cast %add3A_677 : i32 to index
        %get3A_679 = tpu.vector_load %arg5[%get3A_678] {strides = array<i32>} : memref<25600xf32, #tpu.memory_space<vmem>>, vector<16xf32>,
        %get3A_680 = vector.shape_cast %get3A_679 : vector<16xf32> to vector<16xf32>
        %add3A_681 = arith.addf %add3A_671, %get3A_680 : vector<16xf32>
        %mul3A_682 = arith.constant 1024 : i32
        %mul3A_683 = arith.muli %scan3A_124, %mul3A_682 : i32
        %add3A_684 = arith.constant 768 : i32
        %add3A_685 = arith.addi %mul3A_683, %add3A_684 : i32
        %add3A_686 = arith.constant 112 : i32
        %add3A_687 = arith.addi %add3A_685, %add3A_686 : i32
        %get3A_688 = arith.index_cast %add3A_687 : i32 to index
        %get3A_689 = tpu.vector_load %arg5[%get3A_688] {strides = array<i32>} : memref<25600xf32, #tpu.memory_space<vmem>>, vector<16xf32>,
        %get3A_690 = vector.shape_cast %get3A_689 : vector<16xf32> to vector<16xf32>
        %add3A_691 = arith.addf %add3A_681, %get3A_690 : vector<16xf32>
        %mul3A_692 = arith.constant 1024 : i32
        %mul3A_693 = arith.muli %scan3A_124, %mul3A_692 : i32
        %add3A_694 = arith.constant 896 : i32
        %add3A_695 = arith.addi %mul3A_693, %add3A_694 : i32
        %add3A_696 = arith.constant 0 : i32
        %add3A_697 = arith.addi %add3A_695, %add3A_696 : i32
        %get3A_698 = arith.index_cast %add3A_697 : i32 to index
        %get3A_699 = tpu.vector_load %arg5[%get3A_698] {strides = array<i32>} : memref<25600xf32, #tpu.memory_space<vmem>>, vector<16xf32>,
        %get3A_700 = vector.shape_cast %get3A_699 : vector<16xf32> to vector<16xf32>
        %add3A_701 = arith.addf %scan3A_132, %get3A_700 : vector<16xf32>
        %mul3A_702 = arith.constant 1024 : i32
        %mul3A_703 = arith.muli %scan3A_124, %mul3A_702 : i32
        %add3A_704 = arith.constant 896 : i32
        %add3A_705 = arith.addi %mul3A_703, %add3A_704 : i32
        %add3A_706 = arith.constant 16 : i32
        %add3A_707 = arith.addi %add3A_705, %add3A_706 : i32
        %get3A_708 = arith.index_cast %add3A_707 : i32 to index
        %get3A_709 = tpu.vector_load %arg5[%get3A_708] {strides = array<i32>} : memref<25600xf32, #tpu.memory_space<vmem>>, vector<16xf32>,
        %get3A_710 = vector.shape_cast %get3A_709 : vector<16xf32> to vector<16xf32>
        %add3A_711 = arith.addf %add3A_701, %get3A_710 : vector<16xf32>
        %mul3A_712 = arith.constant 1024 : i32
        %mul3A_713 = arith.muli %scan3A_124, %mul3A_712 : i32
        %add3A_714 = arith.constant 896 : i32
        %add3A_715 = arith.addi %mul3A_713, %add3A_714 : i32
        %add3A_716 = arith.constant 32 : i32
        %add3A_717 = arith.addi %add3A_715, %add3A_716 : i32
        %get3A_718 = arith.index_cast %add3A_717 : i32 to index
        %get3A_719 = tpu.vector_load %arg5[%get3A_718] {strides = array<i32>} : memref<25600xf32, #tpu.memory_space<vmem>>, vector<16xf32>,
        %get3A_720 = vector.shape_cast %get3A_719 : vector<16xf32> to vector<16xf32>
        %add3A_721 = arith.addf %add3A_711, %get3A_720 : vector<16xf32>
        %mul3A_722 = arith.constant 1024 : i32
        %mul3A_723 = arith.muli %scan3A_124, %mul3A_722 : i32
        %add3A_724 = arith.constant 896 : i32
        %add3A_725 = arith.addi %mul3A_723, %add3A_724 : i32
        %add3A_726 = arith.constant 48 : i32
        %add3A_727 = arith.addi %add3A_725, %add3A_726 : i32
        %get3A_728 = arith.index_cast %add3A_727 : i32 to index
        %get3A_729 = tpu.vector_load %arg5[%get3A_728] {strides = array<i32>} : memref<25600xf32, #tpu.memory_space<vmem>>, vector<16xf32>,
        %get3A_730 = vector.shape_cast %get3A_729 : vector<16xf32> to vector<16xf32>
        %add3A_731 = arith.addf %add3A_721, %get3A_730 : vector<16xf32>
        %mul3A_732 = arith.constant 1024 : i32
        %mul3A_733 = arith.muli %scan3A_124, %mul3A_732 : i32
        %add3A_734 = arith.constant 896 : i32
        %add3A_735 = arith.addi %mul3A_733, %add3A_734 : i32
        %add3A_736 = arith.constant 64 : i32
        %add3A_737 = arith.addi %add3A_735, %add3A_736 : i32
        %get3A_738 = arith.index_cast %add3A_737 : i32 to index
        %get3A_739 = tpu.vector_load %arg5[%get3A_738] {strides = array<i32>} : memref<25600xf32, #tpu.memory_space<vmem>>, vector<16xf32>,
        %get3A_740 = vector.shape_cast %get3A_739 : vector<16xf32> to vector<16xf32>
        %add3A_741 = arith.addf %add3A_731, %get3A_740 : vector<16xf32>
        %mul3A_742 = arith.constant 1024 : i32
        %mul3A_743 = arith.muli %scan3A_124, %mul3A_742 : i32
        %add3A_744 = arith.constant 896 : i32
        %add3A_745 = arith.addi %mul3A_743, %add3A_744 : i32
        %add3A_746 = arith.constant 80 : i32
        %add3A_747 = arith.addi %add3A_745, %add3A_746 : i32
        %get3A_748 = arith.index_cast %add3A_747 : i32 to index
        %get3A_749 = tpu.vector_load %arg5[%get3A_748] {strides = array<i32>} : memref<25600xf32, #tpu.memory_space<vmem>>, vector<16xf32>,
        %get3A_750 = vector.shape_cast %get3A_749 : vector<16xf32> to vector<16xf32>
        %add3A_751 = arith.addf %add3A_741, %get3A_750 : vector<16xf32>
        %mul3A_752 = arith.constant 1024 : i32
        %mul3A_753 = arith.muli %scan3A_124, %mul3A_752 : i32
        %add3A_754 = arith.constant 896 : i32
        %add3A_755 = arith.addi %mul3A_753, %add3A_754 : i32
        %add3A_756 = arith.constant 96 : i32
        %add3A_757 = arith.addi %add3A_755, %add3A_756 : i32
        %get3A_758 = arith.index_cast %add3A_757 : i32 to index
        %get3A_759 = tpu.vector_load %arg5[%get3A_758] {strides = array<i32>} : memref<25600xf32, #tpu.memory_space<vmem>>, vector<16xf32>,
        %get3A_760 = vector.shape_cast %get3A_759 : vector<16xf32> to vector<16xf32>
        %add3A_761 = arith.addf %add3A_751, %get3A_760 : vector<16xf32>
        %mul3A_762 = arith.constant 1024 : i32
        %mul3A_763 = arith.muli %scan3A_124, %mul3A_762 : i32
        %add3A_764 = arith.constant 896 : i32
        %add3A_765 = arith.addi %mul3A_763, %add3A_764 : i32
        %add3A_766 = arith.constant 112 : i32
        %add3A_767 = arith.addi %add3A_765, %add3A_766 : i32
        %get3A_768 = arith.index_cast %add3A_767 : i32 to index
        %get3A_769 = tpu.vector_load %arg5[%get3A_768] {strides = array<i32>} : memref<25600xf32, #tpu.memory_space<vmem>>, vector<16xf32>,
        %get3A_770 = vector.shape_cast %get3A_769 : vector<16xf32> to vector<16xf32>
        %add3A_771 = arith.addf %add3A_761, %get3A_770 : vector<16xf32>
        scf.yield %add3A_211, %add3A_291, %add3A_371, %add3A_451, %add3A_531, %add3A_611, %add3A_691, %add3A_771 : vector<16xf32>, vector<16xf32>, vector<16xf32>, vector<16xf32>, vector<16xf32>, vector<16xf32>, vector<16xf32>, vector<16xf32>
      }
      %scan3A_116 = arith.constant 25 : i32
      %add3A_117 = arith.constant 2 : i32
      %add3A_118 = arith.addi %add3A_108, %add3A_117 : i32
      %lt3A_119 = arith.constant 10 : i32
      %lt3A_120 = arith.cmpi slt, %add3A_118, %lt3A_119 : i32
      %convert_element_type3A_121 = arith.extui %lt3A_120 : i1 to i32
      %cond3A_122 = arith.constant 0 : i32
      %cond3A_123 = arith.cmpi ne, %convert_element_type3A_121, %cond3A_122 : i32
      scf.if %cond3A_123 {
        %add3A_124 = arith.constant 2 : i32
        %add3A_125 = arith.addi %add3A_108, %add3A_124 : i32
        %mul3A_126 = arith.constant 25600 : i32
        %mul3A_127 = arith.muli %add3A_125, %mul3A_126 : i32
        %add3A_128 = arith.addi %add3A_37, %mul3A_127 : i32
        %dma_start3A_129 = tpu.memref_slice %arg2[%add3A_128] : memref<25600000xf32, #tpu.memory_space<hbm>> -> memref<25600xf32, #tpu.memory_space<hbm>>
        %dma_start3A_130 = tpu.memref_slice %arg2[%add3A_128] : memref<25600000xf32, #tpu.memory_space<hbm>> -> memref<25600xf32, #tpu.memory_space<hbm>>
        tpu.enqueue_dma source(%dma_start3A_130 : memref<25600xf32, #tpu.memory_space<hbm>>) target(%arg5 : memref<25600xf32, #tpu.memory_space<vmem>>) target_semaphore(%arg8 : memref<!tpu.dma_semaphore, #tpu.memory_space<semaphore_mem>>)
      } else {
      }
      scf.yield %scan3A_115#0, %scan3A_115#1, %scan3A_115#2, %scan3A_115#3, %scan3A_115#4, %scan3A_115#5, %scan3A_115#6, %scan3A_115#7 : vector<16xf32>, vector<16xf32>, vector<16xf32>, vector<16xf32>, vector<16xf32>, vector<16xf32>, vector<16xf32>, vector<16xf32>
    }
    %scan3A_48 = arith.constant 5 : i32
    %swap3A = arith.constant 0 : index
    %swap3A_49 = tpu.vector_load %arg6[%swap3A] {strides = array<i32>} : memref<128xf32, #tpu.memory_space<vmem>>, vector<16xf32>,
    %swap3A_50 = vector.shape_cast %swap3A_49 : vector<16xf32> to vector<16xf32>
    %swap3A_51 = vector.shape_cast %scan3A_47#0 : vector<16xf32> to vector<16xf32>
    tpu.vector_store %arg6[%swap3A], %swap3A_51 {strides = array<i32>} : memref<128xf32, #tpu.memory_space<vmem>>, vector<16xf32>,
    %swap3A_52 = arith.constant 16 : index
    %swap3A_53 = tpu.vector_load %arg6[%swap3A_52] {strides = array<i32>} : memref<128xf32, #tpu.memory_space<vmem>>, vector<16xf32>,
    %swap3A_54 = vector.shape_cast %swap3A_53 : vector<16xf32> to vector<16xf32>
    %swap3A_55 = vector.shape_cast %scan3A_47#1 : vector<16xf32> to vector<16xf32>
    tpu.vector_store %arg6[%swap3A_52], %swap3A_55 {strides = array<i32>} : memref<128xf32, #tpu.memory_space<vmem>>, vector<16xf32>,
    %swap3A_56 = arith.constant 32 : index
    %swap3A_57 = tpu.vector_load %arg6[%swap3A_56] {strides = array<i32>} : memref<128xf32, #tpu.memory_space<vmem>>, vector<16xf32>,
    %swap3A_58 = vector.shape_cast %swap3A_57 : vector<16xf32> to vector<16xf32>
    %swap3A_59 = vector.shape_cast %scan3A_47#2 : vector<16xf32> to vector<16xf32>
    tpu.vector_store %arg6[%swap3A_56], %swap3A_59 {strides = array<i32>} : memref<128xf32, #tpu.memory_space<vmem>>, vector<16xf32>,
    %swap3A_60 = arith.constant 48 : index
    %swap3A_61 = tpu.vector_load %arg6[%swap3A_60] {strides = array<i32>} : memref<128xf32, #tpu.memory_space<vmem>>, vector<16xf32>,
    %swap3A_62 = vector.shape_cast %swap3A_61 : vector<16xf32> to vector<16xf32>
    %swap3A_63 = vector.shape_cast %scan3A_47#3 : vector<16xf32> to vector<16xf32>
    tpu.vector_store %arg6[%swap3A_60], %swap3A_63 {strides = array<i32>} : memref<128xf32, #tpu.memory_space<vmem>>, vector<16xf32>,
    %swap3A_64 = arith.constant 64 : index
    %swap3A_65 = tpu.vector_load %arg6[%swap3A_64] {strides = array<i32>} : memref<128xf32, #tpu.memory_space<vmem>>, vector<16xf32>,
    %swap3A_66 = vector.shape_cast %swap3A_65 : vector<16xf32> to vector<16xf32>
    %swap3A_67 = vector.shape_cast %scan3A_47#4 : vector<16xf32> to vector<16xf32>
    tpu.vector_store %arg6[%swap3A_64], %swap3A_67 {strides = array<i32>} : memref<128xf32, #tpu.memory_space<vmem>>, vector<16xf32>,
    %swap3A_68 = arith.constant 80 : index
    %swap3A_69 = tpu.vector_load %arg6[%swap3A_68] {strides = array<i32>} : memref<128xf32, #tpu.memory_space<vmem>>, vector<16xf32>,
    %swap3A_70 = vector.shape_cast %swap3A_69 : vector<16xf32> to vector<16xf32>
    %swap3A_71 = vector.shape_cast %scan3A_47#5 : vector<16xf32> to vector<16xf32>
    tpu.vector_store %arg6[%swap3A_68], %swap3A_71 {strides = array<i32>} : memref<128xf32, #tpu.memory_space<vmem>>, vector<16xf32>,
    %swap3A_72 = arith.constant 96 : index
    %swap3A_73 = tpu.vector_load %arg6[%swap3A_72] {strides = array<i32>} : memref<128xf32, #tpu.memory_space<vmem>>, vector<16xf32>,
    %swap3A_74 = vector.shape_cast %swap3A_73 : vector<16xf32> to vector<16xf32>
    %swap3A_75 = vector.shape_cast %scan3A_47#6 : vector<16xf32> to vector<16xf32>
    tpu.vector_store %arg6[%swap3A_72], %swap3A_75 {strides = array<i32>} : memref<128xf32, #tpu.memory_space<vmem>>, vector<16xf32>,
    %swap3A_76 = arith.constant 112 : index
    %swap3A_77 = tpu.vector_load %arg6[%swap3A_76] {strides = array<i32>} : memref<128xf32, #tpu.memory_space<vmem>>, vector<16xf32>,
    %swap3A_78 = vector.shape_cast %swap3A_77 : vector<16xf32> to vector<16xf32>
    %swap3A_79 = vector.shape_cast %scan3A_47#7 : vector<16xf32> to vector<16xf32>
    tpu.vector_store %arg6[%swap3A_76], %swap3A_79 {strides = array<i32>} : memref<128xf32, #tpu.memory_space<vmem>>, vector<16xf32>,
    "tpu.region"() ({
      %run_scoped3A = tpu.sem_alloc : memref<!tpu.dma_semaphore, #tpu.memory_space<semaphore_mem>>
      %dma_start3A_80 = arith.constant 0 : i32
      %dma_start3A_81 = tpu.memref_slice %arg3[%add3A, %dma_start3A_80] : memref<32x128xf32, #tpu.memory_space<hbm>> -> memref<1x128xf32, #tpu.memory_space<hbm>>
      %dma_start3A_82 = tpu.memref_squeeze %dma_start3A_81 : memref<1x128xf32, #tpu.memory_space<hbm>> -> memref<128xf32, #tpu.memory_space<hbm>>
      %dma_start3A_83 = arith.constant 0 : i32
      %dma_start3A_84 = tpu.memref_slice %arg3[%add3A, %dma_start3A_83] : memref<32x128xf32, #tpu.memory_space<hbm>> -> memref<1x128xf32, #tpu.memory_space<hbm>>
      %dma_start3A_85 = tpu.memref_squeeze %dma_start3A_84 : memref<1x128xf32, #tpu.memory_space<hbm>> -> memref<128xf32, #tpu.memory_space<hbm>>
      tpu.enqueue_dma source(%arg6 : memref<128xf32, #tpu.memory_space<vmem>>) target(%dma_start3A_85 : memref<128xf32, #tpu.memory_space<hbm>>) target_semaphore(%run_scoped3A : memref<!tpu.dma_semaphore, #tpu.memory_space<semaphore_mem>>)
      %dma_wait3A = arith.constant 0 : i32
      %dma_wait3A_86 = tpu.memref_slice %arg3[%add3A, %dma_wait3A] : memref<32x128xf32, #tpu.memory_space<hbm>> -> memref<1x128xf32, #tpu.memory_space<hbm>>
      %dma_wait3A_87 = tpu.memref_squeeze %dma_wait3A_86 : memref<1x128xf32, #tpu.memory_space<hbm>> -> memref<128xf32, #tpu.memory_space<hbm>>
      %dma_wait3A_88 = arith.constant 0 : i32
      %dma_wait3A_89 = tpu.memref_slice %arg3[%add3A, %dma_wait3A_88] : memref<32x128xf32, #tpu.memory_space<hbm>> -> memref<1x128xf32, #tpu.memory_space<hbm>>
      %dma_wait3A_90 = tpu.memref_squeeze %dma_wait3A_89 : memref<1x128xf32, #tpu.memory_space<hbm>> -> memref<128xf32, #tpu.memory_space<hbm>>
      tpu.wait_dma2 semaphore(%run_scoped3A : memref<!tpu.dma_semaphore, #tpu.memory_space<semaphore_mem>>) src(%arg6 : memref<128xf32, #tpu.memory_space<vmem>>) dst(%dma_wait3A_90 : memref<128xf32, #tpu.memory_space<hbm>>)
      tpu.yield
    }) : () -> ()
    return
  }
}

module attributes {stable_mosaic.version = 14 : i64} {
  func.func @_tc_body(%arg0: i32, %arg1: memref<1000x128xf32, #tpu.memory_space<vmem>>, %arg2: memref<16x21760xf32, #tpu.memory_space<vmem>>, %arg3: memref<2x128xf32, #tpu.memory_space<vmem>>, %arg4: memref<40x128xf32, #tpu.memory_space<vmem>>, %arg5: memref<16x1280xf32, #tpu.memory_space<vmem>>) attributes {dimension_semantics = [#tpu.dimension_semantics<arbitrary>], iteration_bounds = array<i64: 50>, scalar_prefetch = 0 : i64, scratch_operands = 2 : i64, tpu.core_type = #tpu.core_type<tc>, window_params = [{transform_indices = @transform_0, window_bounds = array<i64: 1000, 128>}, {transform_indices = @transform_1, window_bounds = array<i64: 16, 21760>}, {pipeline_mode = #tpu.pipeline_mode<synchronous>, transform_indices = @transform_2, window_bounds = array<i64: 2, 128>}]} {
    %eq3A = arith.constant 0 : i32
    %eq3A_0 = arith.cmpi eq, %arg0, %eq3A : i32
    %convert_element_type3A = arith.extui %eq3A_0 : i1 to i32
    %cond3A = arith.constant 0 : i32
    %cond3A_1 = arith.cmpi ne, %convert_element_type3A, %cond3A : i32
    scf.if %cond3A_1 {
      %broadcast_in_dim3A = arith.constant 0.000000e+00 : f32
      %broadcast_in_dim3A_105 = vector.broadcast %broadcast_in_dim3A : f32 to vector<40x128xf32>
      %swap3A_106 = arith.constant 0 : index
      %swap3A_107 = arith.constant 0 : index
      %swap3A_108 = vector.load %arg4[%swap3A_106, %swap3A_107] : memref<40x128xf32, #tpu.memory_space<vmem>>, vector<40x128xf32>
      tpu.vector_store %arg4[%swap3A_106, %swap3A_107], %broadcast_in_dim3A_105 {strides = array<i32>} : memref<40x128xf32, #tpu.memory_space<vmem>>, vector<40x128xf32>,
      %broadcast_in_dim3A_109 = arith.constant 0.000000e+00 : f32
      %broadcast_in_dim3A_110 = vector.broadcast %broadcast_in_dim3A_109 : f32 to vector<16x1280xf32>
      %swap3A_111 = arith.constant 0 : index
      %swap3A_112 = arith.constant 0 : index
      %swap3A_113 = vector.load %arg5[%swap3A_111, %swap3A_112] : memref<16x1280xf32, #tpu.memory_space<vmem>>, vector<16x1280xf32>
      tpu.vector_store %arg5[%swap3A_111, %swap3A_112], %broadcast_in_dim3A_110 {strides = array<i32>} : memref<16x1280xf32, #tpu.memory_space<vmem>>, vector<16x1280xf32>,
    } else {
    }
    %get3A = arith.constant 0 : index
    %get3A_2 = arith.constant 0 : index
    %get3A_3 = vector.load %arg2[%get3A, %get3A_2] : memref<16x21760xf32, #tpu.memory_space<vmem>>, vector<16x21760xf32>
    %get3A_4 = arith.constant 0 : index
    %get3A_5 = arith.constant 0 : index
    %get3A_6 = vector.load %arg5[%get3A_4, %get3A_5] : memref<16x1280xf32, #tpu.memory_space<vmem>>, vector<16x1280xf32>
    %slice3A = vector.extract_strided_slice %get3A_3 {offsets = [0, 0], sizes = [16, 1280], strides = [1, 1]} : vector<16x21760xf32> to vector<16x1280xf32>
    %add3A = arith.addf %get3A_6, %slice3A : vector<16x1280xf32>
    %slice3A_7 = vector.extract_strided_slice %get3A_3 {offsets = [0, 1280], sizes = [16, 1280], strides = [1, 1]} : vector<16x21760xf32> to vector<16x1280xf32>
    %add3A_8 = arith.addf %add3A, %slice3A_7 : vector<16x1280xf32>
    %slice3A_9 = vector.extract_strided_slice %get3A_3 {offsets = [0, 2560], sizes = [16, 1280], strides = [1, 1]} : vector<16x21760xf32> to vector<16x1280xf32>
    %add3A_10 = arith.addf %add3A_8, %slice3A_9 : vector<16x1280xf32>
    %slice3A_11 = vector.extract_strided_slice %get3A_3 {offsets = [0, 3840], sizes = [16, 1280], strides = [1, 1]} : vector<16x21760xf32> to vector<16x1280xf32>
    %add3A_12 = arith.addf %add3A_10, %slice3A_11 : vector<16x1280xf32>
    %slice3A_13 = vector.extract_strided_slice %get3A_3 {offsets = [0, 5120], sizes = [16, 1280], strides = [1, 1]} : vector<16x21760xf32> to vector<16x1280xf32>
    %add3A_14 = arith.addf %add3A_12, %slice3A_13 : vector<16x1280xf32>
    %slice3A_15 = vector.extract_strided_slice %get3A_3 {offsets = [0, 6400], sizes = [16, 1280], strides = [1, 1]} : vector<16x21760xf32> to vector<16x1280xf32>
    %add3A_16 = arith.addf %add3A_14, %slice3A_15 : vector<16x1280xf32>
    %slice3A_17 = vector.extract_strided_slice %get3A_3 {offsets = [0, 7680], sizes = [16, 1280], strides = [1, 1]} : vector<16x21760xf32> to vector<16x1280xf32>
    %add3A_18 = arith.addf %add3A_16, %slice3A_17 : vector<16x1280xf32>
    %slice3A_19 = vector.extract_strided_slice %get3A_3 {offsets = [0, 8960], sizes = [16, 1280], strides = [1, 1]} : vector<16x21760xf32> to vector<16x1280xf32>
    %add3A_20 = arith.addf %add3A_18, %slice3A_19 : vector<16x1280xf32>
    %slice3A_21 = vector.extract_strided_slice %get3A_3 {offsets = [0, 10240], sizes = [16, 1280], strides = [1, 1]} : vector<16x21760xf32> to vector<16x1280xf32>
    %add3A_22 = arith.addf %add3A_20, %slice3A_21 : vector<16x1280xf32>
    %slice3A_23 = vector.extract_strided_slice %get3A_3 {offsets = [0, 11520], sizes = [16, 1280], strides = [1, 1]} : vector<16x21760xf32> to vector<16x1280xf32>
    %add3A_24 = arith.addf %add3A_22, %slice3A_23 : vector<16x1280xf32>
    %slice3A_25 = vector.extract_strided_slice %get3A_3 {offsets = [0, 12800], sizes = [16, 1280], strides = [1, 1]} : vector<16x21760xf32> to vector<16x1280xf32>
    %add3A_26 = arith.addf %add3A_24, %slice3A_25 : vector<16x1280xf32>
    %slice3A_27 = vector.extract_strided_slice %get3A_3 {offsets = [0, 14080], sizes = [16, 1280], strides = [1, 1]} : vector<16x21760xf32> to vector<16x1280xf32>
    %add3A_28 = arith.addf %add3A_26, %slice3A_27 : vector<16x1280xf32>
    %slice3A_29 = vector.extract_strided_slice %get3A_3 {offsets = [0, 15360], sizes = [16, 1280], strides = [1, 1]} : vector<16x21760xf32> to vector<16x1280xf32>
    %add3A_30 = arith.addf %add3A_28, %slice3A_29 : vector<16x1280xf32>
    %slice3A_31 = vector.extract_strided_slice %get3A_3 {offsets = [0, 16640], sizes = [16, 1280], strides = [1, 1]} : vector<16x21760xf32> to vector<16x1280xf32>
    %add3A_32 = arith.addf %add3A_30, %slice3A_31 : vector<16x1280xf32>
    %slice3A_33 = vector.extract_strided_slice %get3A_3 {offsets = [0, 17920], sizes = [16, 1280], strides = [1, 1]} : vector<16x21760xf32> to vector<16x1280xf32>
    %add3A_34 = arith.addf %add3A_32, %slice3A_33 : vector<16x1280xf32>
    %slice3A_35 = vector.extract_strided_slice %get3A_3 {offsets = [0, 19200], sizes = [16, 1280], strides = [1, 1]} : vector<16x21760xf32> to vector<16x1280xf32>
    %add3A_36 = arith.addf %add3A_34, %slice3A_35 : vector<16x1280xf32>
    %slice3A_37 = vector.extract_strided_slice %get3A_3 {offsets = [0, 20480], sizes = [16, 1280], strides = [1, 1]} : vector<16x21760xf32> to vector<16x1280xf32>
    %add3A_38 = arith.addf %add3A_36, %slice3A_37 : vector<16x1280xf32>
    %swap3A = arith.constant 0 : index
    %swap3A_39 = arith.constant 0 : index
    %swap3A_40 = vector.load %arg5[%swap3A, %swap3A_39] : memref<16x1280xf32, #tpu.memory_space<vmem>>, vector<16x1280xf32>
    tpu.vector_store %arg5[%swap3A, %swap3A_39], %add3A_38 {strides = array<i32>} : memref<16x1280xf32, #tpu.memory_space<vmem>>, vector<16x1280xf32>,
    %get3A_41 = arith.constant 0 : index
    %get3A_42 = arith.constant 0 : index
    %get3A_43 = vector.load %arg1[%get3A_41, %get3A_42] : memref<1000x128xf32, #tpu.memory_space<vmem>>, vector<1000x128xf32>
    %get3A_44 = arith.constant 0 : index
    %get3A_45 = arith.constant 0 : index
    %get3A_46 = vector.load %arg4[%get3A_44, %get3A_45] : memref<40x128xf32, #tpu.memory_space<vmem>>, vector<40x128xf32>
    %slice3A_47 = vector.extract_strided_slice %get3A_43 {offsets = [0, 0], sizes = [40, 128], strides = [1, 1]} : vector<1000x128xf32> to vector<40x128xf32>
    %add3A_48 = arith.addf %get3A_46, %slice3A_47 : vector<40x128xf32>
    %slice3A_49 = vector.extract_strided_slice %get3A_43 {offsets = [40, 0], sizes = [40, 128], strides = [1, 1]} : vector<1000x128xf32> to vector<40x128xf32>
    %add3A_50 = arith.addf %add3A_48, %slice3A_49 : vector<40x128xf32>
    %slice3A_51 = vector.extract_strided_slice %get3A_43 {offsets = [80, 0], sizes = [40, 128], strides = [1, 1]} : vector<1000x128xf32> to vector<40x128xf32>
    %add3A_52 = arith.addf %add3A_50, %slice3A_51 : vector<40x128xf32>
    %slice3A_53 = vector.extract_strided_slice %get3A_43 {offsets = [120, 0], sizes = [40, 128], strides = [1, 1]} : vector<1000x128xf32> to vector<40x128xf32>
    %add3A_54 = arith.addf %add3A_52, %slice3A_53 : vector<40x128xf32>
    %slice3A_55 = vector.extract_strided_slice %get3A_43 {offsets = [160, 0], sizes = [40, 128], strides = [1, 1]} : vector<1000x128xf32> to vector<40x128xf32>
    %add3A_56 = arith.addf %add3A_54, %slice3A_55 : vector<40x128xf32>
    %slice3A_57 = vector.extract_strided_slice %get3A_43 {offsets = [200, 0], sizes = [40, 128], strides = [1, 1]} : vector<1000x128xf32> to vector<40x128xf32>
    %add3A_58 = arith.addf %add3A_56, %slice3A_57 : vector<40x128xf32>
    %slice3A_59 = vector.extract_strided_slice %get3A_43 {offsets = [240, 0], sizes = [40, 128], strides = [1, 1]} : vector<1000x128xf32> to vector<40x128xf32>
    %add3A_60 = arith.addf %add3A_58, %slice3A_59 : vector<40x128xf32>
    %slice3A_61 = vector.extract_strided_slice %get3A_43 {offsets = [280, 0], sizes = [40, 128], strides = [1, 1]} : vector<1000x128xf32> to vector<40x128xf32>
    %add3A_62 = arith.addf %add3A_60, %slice3A_61 : vector<40x128xf32>
    %slice3A_63 = vector.extract_strided_slice %get3A_43 {offsets = [320, 0], sizes = [40, 128], strides = [1, 1]} : vector<1000x128xf32> to vector<40x128xf32>
    %add3A_64 = arith.addf %add3A_62, %slice3A_63 : vector<40x128xf32>
    %slice3A_65 = vector.extract_strided_slice %get3A_43 {offsets = [360, 0], sizes = [40, 128], strides = [1, 1]} : vector<1000x128xf32> to vector<40x128xf32>
    %add3A_66 = arith.addf %add3A_64, %slice3A_65 : vector<40x128xf32>
    %slice3A_67 = vector.extract_strided_slice %get3A_43 {offsets = [400, 0], sizes = [40, 128], strides = [1, 1]} : vector<1000x128xf32> to vector<40x128xf32>
    %add3A_68 = arith.addf %add3A_66, %slice3A_67 : vector<40x128xf32>
    %slice3A_69 = vector.extract_strided_slice %get3A_43 {offsets = [440, 0], sizes = [40, 128], strides = [1, 1]} : vector<1000x128xf32> to vector<40x128xf32>
    %add3A_70 = arith.addf %add3A_68, %slice3A_69 : vector<40x128xf32>
    %slice3A_71 = vector.extract_strided_slice %get3A_43 {offsets = [480, 0], sizes = [40, 128], strides = [1, 1]} : vector<1000x128xf32> to vector<40x128xf32>
    %add3A_72 = arith.addf %add3A_70, %slice3A_71 : vector<40x128xf32>
    %slice3A_73 = vector.extract_strided_slice %get3A_43 {offsets = [520, 0], sizes = [40, 128], strides = [1, 1]} : vector<1000x128xf32> to vector<40x128xf32>
    %add3A_74 = arith.addf %add3A_72, %slice3A_73 : vector<40x128xf32>
    %slice3A_75 = vector.extract_strided_slice %get3A_43 {offsets = [560, 0], sizes = [40, 128], strides = [1, 1]} : vector<1000x128xf32> to vector<40x128xf32>
    %add3A_76 = arith.addf %add3A_74, %slice3A_75 : vector<40x128xf32>
    %slice3A_77 = vector.extract_strided_slice %get3A_43 {offsets = [600, 0], sizes = [40, 128], strides = [1, 1]} : vector<1000x128xf32> to vector<40x128xf32>
    %add3A_78 = arith.addf %add3A_76, %slice3A_77 : vector<40x128xf32>
    %slice3A_79 = vector.extract_strided_slice %get3A_43 {offsets = [640, 0], sizes = [40, 128], strides = [1, 1]} : vector<1000x128xf32> to vector<40x128xf32>
    %add3A_80 = arith.addf %add3A_78, %slice3A_79 : vector<40x128xf32>
    %slice3A_81 = vector.extract_strided_slice %get3A_43 {offsets = [680, 0], sizes = [40, 128], strides = [1, 1]} : vector<1000x128xf32> to vector<40x128xf32>
    %add3A_82 = arith.addf %add3A_80, %slice3A_81 : vector<40x128xf32>
    %slice3A_83 = vector.extract_strided_slice %get3A_43 {offsets = [720, 0], sizes = [40, 128], strides = [1, 1]} : vector<1000x128xf32> to vector<40x128xf32>
    %add3A_84 = arith.addf %add3A_82, %slice3A_83 : vector<40x128xf32>
    %slice3A_85 = vector.extract_strided_slice %get3A_43 {offsets = [760, 0], sizes = [40, 128], strides = [1, 1]} : vector<1000x128xf32> to vector<40x128xf32>
    %add3A_86 = arith.addf %add3A_84, %slice3A_85 : vector<40x128xf32>
    %slice3A_87 = vector.extract_strided_slice %get3A_43 {offsets = [800, 0], sizes = [40, 128], strides = [1, 1]} : vector<1000x128xf32> to vector<40x128xf32>
    %add3A_88 = arith.addf %add3A_86, %slice3A_87 : vector<40x128xf32>
    %slice3A_89 = vector.extract_strided_slice %get3A_43 {offsets = [840, 0], sizes = [40, 128], strides = [1, 1]} : vector<1000x128xf32> to vector<40x128xf32>
    %add3A_90 = arith.addf %add3A_88, %slice3A_89 : vector<40x128xf32>
    %slice3A_91 = vector.extract_strided_slice %get3A_43 {offsets = [880, 0], sizes = [40, 128], strides = [1, 1]} : vector<1000x128xf32> to vector<40x128xf32>
    %add3A_92 = arith.addf %add3A_90, %slice3A_91 : vector<40x128xf32>
    %slice3A_93 = vector.extract_strided_slice %get3A_43 {offsets = [920, 0], sizes = [40, 128], strides = [1, 1]} : vector<1000x128xf32> to vector<40x128xf32>
    %add3A_94 = arith.addf %add3A_92, %slice3A_93 : vector<40x128xf32>
    %slice3A_95 = vector.extract_strided_slice %get3A_43 {offsets = [960, 0], sizes = [40, 128], strides = [1, 1]} : vector<1000x128xf32> to vector<40x128xf32>
    %add3A_96 = arith.addf %add3A_94, %slice3A_95 : vector<40x128xf32>
    %swap3A_97 = arith.constant 0 : index
    %swap3A_98 = arith.constant 0 : index
    %swap3A_99 = vector.load %arg4[%swap3A_97, %swap3A_98] : memref<40x128xf32, #tpu.memory_space<vmem>>, vector<40x128xf32>
    tpu.vector_store %arg4[%swap3A_97, %swap3A_98], %add3A_96 {strides = array<i32>} : memref<40x128xf32, #tpu.memory_space<vmem>>, vector<40x128xf32>,
    %eq3A_100 = arith.constant 49 : i32
    %eq3A_101 = arith.cmpi eq, %arg0, %eq3A_100 : i32
    %convert_element_type3A_102 = arith.extui %eq3A_101 : i1 to i32
    %cond3A_103 = arith.constant 0 : i32
    %cond3A_104 = arith.cmpi ne, %convert_element_type3A_102, %cond3A_103 : i32
    scf.if %cond3A_104 {
      %get3A_105 = arith.constant 0 : index
      %get3A_106 = arith.constant 0 : index
      %get3A_107 = vector.load %arg4[%get3A_105, %get3A_106] : memref<40x128xf32, #tpu.memory_space<vmem>>, vector<40x128xf32>
      %reduce_sum3A = arith.constant dense<0.000000e+00> : vector<128xf32>
      %reduce_sum3A_108 = vector.multi_reduction <add>, %get3A_107, %reduce_sum3A [0] : vector<40x128xf32> to vector<128xf32>
      %broadcast_in_dim3A = vector.shape_cast %reduce_sum3A_108 : vector<128xf32> to vector<1x128xf32>
      %get3A_109 = arith.constant 0 : index
      %get3A_110 = arith.constant 0 : index
      %get3A_111 = vector.load %arg5[%get3A_109, %get3A_110] : memref<16x1280xf32, #tpu.memory_space<vmem>>, vector<16x1280xf32>
      %reshape3A = vector.shape_cast %get3A_111 : vector<16x1280xf32> to vector<16x10x128xf32>
      %reduce_sum3A_112 = arith.constant dense<0.000000e+00> : vector<16x128xf32>
      %reduce_sum3A_113 = vector.multi_reduction <add>, %reshape3A, %reduce_sum3A_112 [1] : vector<16x10x128xf32> to vector<16x128xf32>
      %broadcast_in_dim3A_114 = arith.constant 1.000000e+00 : f32
      %broadcast_in_dim3A_115 = vector.broadcast %broadcast_in_dim3A_114 : f32 to vector<1x128xf32>
      %dot_general3A = arith.constant dense<0.000000e+00> : vector<1x16xf32>
      %dot_general3A_116 = tpu.matmul %broadcast_in_dim3A_115, %reduce_sum3A_113, %dot_general3A {dimension_numbers = #tpu.dot_dimension_numbers<[1], [1], [0], [0], [0, 0, 1, 0], [], []>, transpose_lhs_hint = false} : vector<1x128xf32>, vector<16x128xf32>, vector<1x16xf32> -> vector<1x16xf32>
      %swap3A_117 = arith.constant 0 : index
      %swap3A_118 = arith.constant 0 : index
      %swap3A_119 = vector.load %arg3[%swap3A_117, %swap3A_118] : memref<2x128xf32, #tpu.memory_space<vmem>>, vector<1x16xf32>
      tpu.vector_store %arg3[%swap3A_117, %swap3A_118], %dot_general3A_116 {strides = array<i32>} : memref<2x128xf32, #tpu.memory_space<vmem>>, vector<1x16xf32>,
      %swap3A_120 = arith.constant 1 : index
      %swap3A_121 = arith.constant 0 : index
      %swap3A_122 = vector.load %arg3[%swap3A_120, %swap3A_121] : memref<2x128xf32, #tpu.memory_space<vmem>>, vector<1x128xf32>
      tpu.vector_store %arg3[%swap3A_120, %swap3A_121], %broadcast_in_dim3A {strides = array<i32>} : memref<2x128xf32, #tpu.memory_space<vmem>>, vector<1x128xf32>,
    } else {
    }
    return
  }
  func.func @transform_0(%arg0: i32) -> (i32, i32) {
    %c0_i32 = arith.constant 0 : i32
    %c0_i32_0 = arith.constant 0 : i32
    return %arg0, %c0_i32 : i32, i32
  }
  func.func @transform_1(%arg0: i32) -> (i32, i32) {
    %c0_i32 = arith.constant 0 : i32
    %c0_i32_0 = arith.constant 0 : i32
    return %c0_i32, %arg0 : i32, i32
  }
  func.func @transform_2(%arg0: i32) -> (i32, i32) {
    %c0_i32 = arith.constant 0 : i32
    %c0_i32_0 = arith.constant 0 : i32
    %c0_i32_1 = arith.constant 0 : i32
    return %c0_i32, %c0_i32_0 : i32, i32
  }
}

module attributes {stable_mosaic.version = 14 : i64} {
  func.func @_tc_combine_body(%arg0: memref<32x128xf32, #tpu.memory_space<vmem>>, %arg1: memref<2x128xf32, #tpu.memory_space<vmem>>, %arg2: memref<1x128xf32, #tpu.memory_space<vmem>>, %arg3: memref<272x128xf32, #tpu.memory_space<vmem>>, %arg4: memref<1x128xf32, #tpu.memory_space<vmem>>, %arg5: memref<1x128xf32, #tpu.memory_space<vmem>>) attributes {dimension_semantics = [], scalar_prefetch = 0 : i64, scratch_operands = 0 : i64, tpu.core_type = #tpu.core_type<tc>} {
    %get3A = arith.constant 0 : index
    %get3A_0 = arith.constant 0 : index
    %get3A_1 = vector.load %arg0[%get3A, %get3A_0] : memref<32x128xf32, #tpu.memory_space<vmem>>, vector<32x128xf32>
    %slice3A = vector.extract_strided_slice %get3A_1 {offsets = [0, 0], sizes = [16, 128], strides = [1, 1]} : vector<32x128xf32> to vector<16x128xf32>
    %reduce_sum3A = arith.constant dense<0.000000e+00> : vector<128xf32>
    %reduce_sum3A_2 = vector.multi_reduction <add>, %slice3A, %reduce_sum3A [0] : vector<16x128xf32> to vector<128xf32>
    %broadcast_in_dim3A = vector.shape_cast %reduce_sum3A_2 : vector<128xf32> to vector<1x128xf32>
    %slice3A_3 = vector.extract_strided_slice %get3A_1 {offsets = [16, 0], sizes = [16, 128], strides = [1, 1]} : vector<32x128xf32> to vector<16x128xf32>
    %reduce_sum3A_4 = arith.constant dense<0.000000e+00> : vector<128xf32>
    %reduce_sum3A_5 = vector.multi_reduction <add>, %slice3A_3, %reduce_sum3A_4 [0] : vector<16x128xf32> to vector<128xf32>
    %broadcast_in_dim3A_6 = vector.shape_cast %reduce_sum3A_5 : vector<128xf32> to vector<1x128xf32>
    %iota3A = tpu.iota {dimensions = array<i32: 0>} : vector<128x16xi32>
    %iota3A_7 = tpu.iota {dimensions = array<i32: 1>} : vector<128x16xi32>
    %jit3A = arith.constant 16 : i32
    %div3A = vector.broadcast %jit3A : i32 to vector<128x16xi32>
    %div3A_8 = arith.divsi %iota3A, %div3A : vector<128x16xi32>
    %sign3A = arith.constant 0 : i32
    %sign3A_9 = vector.broadcast %sign3A : i32 to vector<128x16xi32>
    %sign3A_10 = arith.cmpi sgt, %iota3A, %sign3A_9 : vector<128x16xi32>
    %sign3A_11 = arith.extui %sign3A_10 : vector<128x16xi1> to vector<128x16xi32>
    %sign3A_12 = arith.constant 0 : i32
    %sign3A_13 = vector.broadcast %sign3A_12 : i32 to vector<128x16xi32>
    %sign3A_14 = arith.cmpi slt, %iota3A, %sign3A_13 : vector<128x16xi32>
    %sign3A_15 = arith.extui %sign3A_14 : vector<128x16xi1> to vector<128x16xi32>
    %sign3A_16 = arith.subi %sign3A_11, %sign3A_15 : vector<128x16xi32>
    %sign3A_17 = arith.constant 0 : i32
    %sign3A_18 = arith.cmpi sgt, %jit3A, %sign3A_17 : i32
    %sign3A_19 = arith.extui %sign3A_18 : i1 to i32
    %sign3A_20 = arith.constant 0 : i32
    %sign3A_21 = arith.cmpi slt, %jit3A, %sign3A_20 : i32
    %sign3A_22 = arith.extui %sign3A_21 : i1 to i32
    %sign3A_23 = arith.subi %sign3A_19, %sign3A_22 : i32
    %ne3A = vector.broadcast %sign3A_23 : i32 to vector<128x16xi32>
    %ne3A_24 = arith.cmpi ne, %sign3A_16, %ne3A : vector<128x16xi32>
    %rem3A = vector.broadcast %jit3A : i32 to vector<128x16xi32>
    %rem3A_25 = arith.remsi %iota3A, %rem3A : vector<128x16xi32>
    %ne3A_26 = arith.constant 0 : i32
    %ne3A_27 = vector.broadcast %ne3A_26 : i32 to vector<128x16xi32>
    %ne3A_28 = arith.cmpi ne, %rem3A_25, %ne3A_27 : vector<128x16xi32>
    %and3A = arith.andi %ne3A_24, %ne3A_28 : vector<128x16xi1>
    %sub3A = arith.constant 1 : i32
    %sub3A_29 = vector.broadcast %sub3A : i32 to vector<128x16xi32>
    %sub3A_30 = arith.subi %div3A_8, %sub3A_29 : vector<128x16xi32>
    %select_n3A = arith.select %and3A, %sub3A_30, %div3A_8 : vector<128x16xi1>, vector<128x16xi32>
    %eq3A = arith.cmpi eq, %select_n3A, %iota3A_7 : vector<128x16xi32>
    %convert_element_type3A = arith.extui %eq3A : vector<128x16xi1> to vector<128x16xi32>
    %convert_element_type3A_31 = arith.sitofp %convert_element_type3A : vector<128x16xi32> to vector<128x16xf32>
    %jit3A_32 = arith.constant 16 : i32
    %div3A_33 = vector.broadcast %jit3A_32 : i32 to vector<128x16xi32>
    %div3A_34 = arith.divsi %iota3A, %div3A_33 : vector<128x16xi32>
    %sign3A_35 = arith.constant 0 : i32
    %sign3A_36 = vector.broadcast %sign3A_35 : i32 to vector<128x16xi32>
    %sign3A_37 = arith.cmpi sgt, %iota3A, %sign3A_36 : vector<128x16xi32>
    %sign3A_38 = arith.extui %sign3A_37 : vector<128x16xi1> to vector<128x16xi32>
    %sign3A_39 = arith.constant 0 : i32
    %sign3A_40 = vector.broadcast %sign3A_39 : i32 to vector<128x16xi32>
    %sign3A_41 = arith.cmpi slt, %iota3A, %sign3A_40 : vector<128x16xi32>
    %sign3A_42 = arith.extui %sign3A_41 : vector<128x16xi1> to vector<128x16xi32>
    %sign3A_43 = arith.subi %sign3A_38, %sign3A_42 : vector<128x16xi32>
    %sign3A_44 = arith.constant 0 : i32
    %sign3A_45 = arith.cmpi sgt, %jit3A_32, %sign3A_44 : i32
    %sign3A_46 = arith.extui %sign3A_45 : i1 to i32
    %sign3A_47 = arith.constant 0 : i32
    %sign3A_48 = arith.cmpi slt, %jit3A_32, %sign3A_47 : i32
    %sign3A_49 = arith.extui %sign3A_48 : i1 to i32
    %sign3A_50 = arith.subi %sign3A_46, %sign3A_49 : i32
    %ne3A_51 = vector.broadcast %sign3A_50 : i32 to vector<128x16xi32>
    %ne3A_52 = arith.cmpi ne, %sign3A_43, %ne3A_51 : vector<128x16xi32>
    %rem3A_53 = vector.broadcast %jit3A_32 : i32 to vector<128x16xi32>
    %rem3A_54 = arith.remsi %iota3A, %rem3A_53 : vector<128x16xi32>
    %ne3A_55 = arith.constant 0 : i32
    %ne3A_56 = vector.broadcast %ne3A_55 : i32 to vector<128x16xi32>
    %ne3A_57 = arith.cmpi ne, %rem3A_54, %ne3A_56 : vector<128x16xi32>
    %and3A_58 = arith.andi %ne3A_52, %ne3A_57 : vector<128x16xi1>
    %sub3A_59 = arith.constant 1 : i32
    %sub3A_60 = vector.broadcast %sub3A_59 : i32 to vector<128x16xi32>
    %sub3A_61 = arith.subi %div3A_34, %sub3A_60 : vector<128x16xi32>
    %select_n3A_62 = arith.select %and3A_58, %sub3A_61, %div3A_34 : vector<128x16xi1>, vector<128x16xi32>
    %sub3A_63 = arith.constant 8 : i32
    %sub3A_64 = vector.broadcast %sub3A_63 : i32 to vector<128x16xi32>
    %sub3A_65 = arith.subi %iota3A_7, %sub3A_64 : vector<128x16xi32>
    %eq3A_66 = arith.cmpi eq, %select_n3A_62, %sub3A_65 : vector<128x16xi32>
    %convert_element_type3A_67 = arith.extui %eq3A_66 : vector<128x16xi1> to vector<128x16xi32>
    %convert_element_type3A_68 = arith.sitofp %convert_element_type3A_67 : vector<128x16xi32> to vector<128x16xf32>
    %dot_general3A = arith.constant dense<0.000000e+00> : vector<1x16xf32>
    %dot_general3A_69 = tpu.matmul %broadcast_in_dim3A, %convert_element_type3A_31, %dot_general3A {dimension_numbers = #tpu.dot_dimension_numbers<[1], [0], [0], [1], [0, 0, 1, 1], [], []>, transpose_lhs_hint = false} : vector<1x128xf32>, vector<128x16xf32>, vector<1x16xf32> -> vector<1x16xf32>
    %dot_general3A_70 = arith.constant dense<0.000000e+00> : vector<1x16xf32>
    %dot_general3A_71 = tpu.matmul %broadcast_in_dim3A_6, %convert_element_type3A_68, %dot_general3A_70 {dimension_numbers = #tpu.dot_dimension_numbers<[1], [0], [0], [1], [0, 0, 1, 1], [], []>, transpose_lhs_hint = false} : vector<1x128xf32>, vector<128x16xf32>, vector<1x16xf32> -> vector<1x16xf32>
    %add3A = arith.addf %dot_general3A_69, %dot_general3A_71 : vector<1x16xf32>
    %get3A_72 = arith.constant 0 : index
    %get3A_73 = arith.constant 0 : index
    %get3A_74 = vector.load %arg1[%get3A_72, %get3A_73] : memref<2x128xf32, #tpu.memory_space<vmem>>, vector<1x16xf32>
    %add3A_75 = arith.addf %add3A, %get3A_74 : vector<1x16xf32>
    %mul3A = arith.constant 6.250000e-07 : f32
    %mul3A_76 = vector.broadcast %mul3A : f32 to vector<1x16xf32>
    %mul3A_77 = arith.mulf %add3A_75, %mul3A_76 : vector<1x16xf32>
    %get3A_78 = arith.constant 1 : index
    %get3A_79 = arith.constant 0 : index
    %get3A_80 = vector.load %arg1[%get3A_78, %get3A_79] : memref<2x128xf32, #tpu.memory_space<vmem>>, vector<1x128xf32>
    %mul3A_81 = arith.constant 2.000000e-05 : f32
    %mul3A_82 = vector.broadcast %mul3A_81 : f32 to vector<1x128xf32>
    %mul3A_83 = arith.mulf %get3A_80, %mul3A_82 : vector<1x128xf32>
    %get3A_84 = arith.constant 0 : index
    %get3A_85 = arith.constant 0 : index
    %get3A_86 = vector.load %arg2[%get3A_84, %get3A_85] : memref<1x128xf32, #tpu.memory_space<vmem>>, vector<1x128xf32>
    %concatenate3A = tpu.concatenate %mul3A_77, %mul3A_83, %get3A_86 in 1 : vector<1x16xf32>, vector<1x128xf32>, vector<1x128xf32> -> vector<1x272xf32>
    %get3A_87 = arith.constant 0 : index
    %get3A_88 = arith.constant 0 : index
    %get3A_89 = vector.load %arg3[%get3A_87, %get3A_88] : memref<272x128xf32, #tpu.memory_space<vmem>>, vector<272x128xf32>
    %dot_general3A_90 = arith.constant dense<0.000000e+00> : vector<1x128xf32>
    %dot_general3A_91 = tpu.matmul %concatenate3A, %get3A_89, %dot_general3A_90 {dimension_numbers = #tpu.dot_dimension_numbers<[1], [0], [0], [1], [0, 0, 1, 1], [], []>, transpose_lhs_hint = false} : vector<1x272xf32>, vector<272x128xf32>, vector<1x128xf32> -> vector<1x128xf32>
    %get3A_92 = arith.constant 0 : index
    %get3A_93 = arith.constant 0 : index
    %get3A_94 = vector.load %arg4[%get3A_92, %get3A_93] : memref<1x128xf32, #tpu.memory_space<vmem>>, vector<1x128xf32>
    %add3A_95 = arith.addf %dot_general3A_91, %get3A_94 : vector<1x128xf32>
    %swap3A = arith.constant 0 : index
    %swap3A_96 = arith.constant 0 : index
    %swap3A_97 = vector.load %arg5[%swap3A, %swap3A_96] : memref<1x128xf32, #tpu.memory_space<vmem>>, vector<1x128xf32>
    tpu.vector_store %arg5[%swap3A, %swap3A_96], %add3A_95 {strides = array<i32>} : memref<1x128xf32, #tpu.memory_space<vmem>>, vector<1x128xf32>,
    return
  }
}

</mosaic_0001>

<sc_bundles>
// kernel: kernel.5.cloned.1.call-start
scs
__scs_entry_jumppad:
0x0: {  	(pc) =	sbr.rel $0x88, $3  }
0x1: {  	(tag) =	ssettag $0x0;
	lr =	simm.s32 $0x1  }
0x2: {  	[smem:$0x3F9C] =	sst lr;
	_ =	strace $0xD0000000  }
0x3: {  	_ = 	snop  }
0x4: {  	_ = 	snop  }
0x5: {  	_ = 	snop  }
0x6: {  	_ = 	snop  }
0x7: {  	_ = 	snop  }
__scs_overlays_trampoline_lowered:
0x8: {  	[smem:$0x3FAB] =	sst s0  }
0x9: {  	[smem:$0x3FAC] =	sst s1  }
0xa: {  	[smem:$0x3FAD] =	sst s2  }
0xb: {  	[smem:$0x3FAE] =	sst s3  }
0xc: {  	[smem:$0x3FAF] =	sst s4  }
0xd: {  	[smem:$0x3FB0] =	sst s5  }
0xe: {  	[smem:$0x3FB1] =	sst s6  }
0xf: {  	[smem:$0x3FB2] =	sst s7  }
0x10: {  	[smem:$0x3FB3] =	sst s8  }
0x11: {  	[smem:$0x3FB4] =	sst s9;
	s0 =	simm.s32 @!p0 $0x0  }
0x12: {  	s1 =	sld [smem:$0x3F9A];
	s0 =	simm.s32 @p0 $0x1  }
0x13: {  	[smem:$0x3FB5] =	sst s0;
	s0 =	simm.s32 @!p1 $0x0  }
0x14: {  	s2 =	sld [smem:$0x3F99];
	s0 =	simm.s32 @p1 $0x1  }
0x15: {  	[smem:$0x3FB6] =	sst s0;
	s0 =	simm.s32 @!p2 $0x0  }
0x16: {  	s3 =	sld [smem:$0x3FDB];
	s0 =	simm.s32 @p2 $0x1  }
0x17: {  	s4 =	simm.s32 $0x1BF5;
	[smem:$0x3FB8] =	sst s0  }
0x18: {  	s0 =	sld [smem:$0x3F9B];
	_ =	swait.ge [sflag:s4], $0x0  }
0x19: {  	s7 =	sld [smem:$0x3F9C]  }
0x1a: {  	s8 =	sadd.s32 $0xFFFFE003, lr  }
0x1b: {  	s9 =	sadd.s32 $0xFFFFFEF7, lr;
	s5 =	simm.s32 $0xFFFFFFFF;
	p2 =	slt.u32 s8, $0xFFFFF086  }
0x1c: {  	p1 =	slt.u32 s9, $0xF7A;
	s5 =	simm.s32 @!p2 $0x0  }
0x1d: {  	s5 =	simm.s32 @p1 $0x1;
	p0 =	seq.s32 s7, s2  }
0x1e: {  	s7 =	smul.u32 @!p0 $0xF7A, s2;
	p2 =	seq.s32 @!p0 s5, $0x0  }
0x1f: {  	s9 =	smul.u32 $0xF7A, s1;
	s8 =	simm.s32 @!p0 $0x1BF5;
	p2 =	por !p2, p0  }
0x20: {  	[sflag:s8] =	ssyncset.s32 @!p0 $0xFFFFF086;
	s6 =	sadd.s32 @!p0 s3, s7;
	s7 =	simm.s32 @!p0 $0x108  }
0x21: {  	s3 =	sadd.s32 s3, s9;
	s6 =	sadd.s32 @!p0 $0x88, s6;
	s7 =	simm.s32 @p2 $0x1082  }
0x22: {  	[simem:s7], [sflag:s8] =	dma.local @!p0 [hbm:s6], $0xF7A  }
0x23: {  	s9 =	sor.u32 $0xD0000000, s2;
	s6 =	simm.s32 $0x108;
	_ =	swait.ge @!p0 [sflag:s8], $0x0  }
0x24: {  	s3 =	sadd.s32 $0x88, s3;
	s6 =	simm.s32 @!p1 $0x1082;
	[sflag:s4] =	ssyncset.s32 $0xFFFFF086  }
0x25: {  	[simem:s6], [sflag:s4] =	dma.local [hbm:s3], $0xF7A  }
0x26: {  	[smem:$0x3F9C] =	sst s1;
	(tag) =	ssettag s2;
	_ =	strace s9  }
0x27: {  	s1 =	sld [smem:$0x3FAC]  }
0x28: {  	s2 =	sld [smem:$0x3FAD]  }
0x29: {  	s4 =	sld [smem:$0x3FAF]  }
0x2a: {  	p0 =	seq.s32 s5, $0x0;
	s5 =	sld [smem:$0x3FB0]  }
0x2b: {  	s6 =	sld [smem:$0x3FB1]  }
0x2c: {  	s7 =	sld [smem:$0x3FB2]  }
0x2d: {  	s3 =	simm.s32 $0x108;
	s8 =	sld [smem:$0x3FB3]  }
0x2e: {  	s3 =	simm.s32 @!p0 $0x1082;
	s9 =	sld [smem:$0x3FB4]  }
0x2f: {  	lr =	sadd.s32 s0, s3;
	s0 =	sld [smem:$0x3FAB]  }
0x30: {  	s3 =	sld [smem:$0x3FAE]  }
0x31: {  	[smem:$0x3FB7] =	sst s10  }
0x32: {  	s10 =	sld [smem:$0x3FB5];
	_ =	sdelay $0x3  }
0x33: {  	p0 =	seq.s32 s10, $0x1;
	s10 =	sld [smem:$0x3FB7];
	_ =	sdelay $0x3  }
0x34: {  	[smem:$0x3FB7] =	sst s10  }
0x35: {  	s10 =	sld [smem:$0x3FB6];
	_ =	sdelay $0x3  }
0x36: {  	p1 =	seq.s32 s10, $0x1;
	s10 =	sld [smem:$0x3FB7];
	_ =	sdelay $0x3  }
0x37: {  	[smem:$0x3FB7] =	sst s10  }
0x38: {  	s10 =	sld [smem:$0x3FB8]  }
0x39: {  	_ = 	snop;
	(pc) =	sbr.ind lr, $3  }
0x3a: {  	_ = 	snop  }
0x3b: {  	_ = 	snop  }
0x3c: {  	p2 =	seq.s32 s10, $0x1;
	s10 =	sld [smem:$0x3FB7]  }
0x3d: {  	_ =	shalt  }
0x3e: {  	_ =	shalt  }
0x3f: {  	_ =	shalt  }
0x40: {  	_ =	shalt  }
0x41: {  	_ =	shalt  }
0x42: {  	_ =	shalt  }
0x43: {  	_ =	shalt  }
0x44: {  	_ =	shalt  }
0x45: {  	_ =	shalt  }
0x46: {  	_ =	shalt  }
0x47: {  	_ =	shalt  }
0x48: {  	_ =	shalt  }
0x49: {  	_ =	shalt  }
0x4a: {  	_ =	shalt  }
0x4b: {  	_ =	shalt  }
0x4c: {  	_ =	shalt  }
0x4d: {  	_ =	shalt  }
0x4e: {  	_ =	shalt  }
0x4f: {  	_ =	shalt  }
0x50: {  	_ =	shalt  }
0x51: {  	_ =	shalt  }
0x52: {  	_ =	shalt  }
0x53: {  	_ =	shalt  }
0x54: {  	_ =	shalt  }
0x55: {  	_ =	shalt  }
0x56: {  	_ =	shalt  }
0x57: {  	_ =	shalt  }
0x58: {  	_ =	shalt  }
0x59: {  	_ =	shalt  }
0x5a: {  	_ =	shalt  }
0x5b: {  	_ =	shalt  }
0x5c: {  	_ =	shalt  }
0x5d: {  	_ =	shalt  }
0x5e: {  	_ =	shalt  }
0x5f: {  	_ =	shalt  }
0x60: {  	_ =	shalt  }
0x61: {  	_ =	shalt  }
0x62: {  	_ =	shalt  }
0x63: {  	_ =	shalt  }
0x64: {  	_ =	shalt  }
0x65: {  	_ =	shalt  }
0x66: {  	_ =	shalt  }
0x67: {  	_ =	shalt  }
0x68: {  	_ =	shalt  }
0x69: {  	_ =	shalt  }
0x6a: {  	_ =	shalt  }
0x6b: {  	_ =	shalt  }
0x6c: {  	_ =	shalt  }
0x6d: {  	_ =	shalt  }
0x6e: {  	_ =	shalt  }
0x6f: {  	_ =	shalt  }
0x70: {  	_ =	shalt  }
0x71: {  	_ =	shalt  }
0x72: {  	_ =	shalt  }
0x73: {  	_ =	shalt  }
0x74: {  	_ =	shalt  }
0x75: {  	_ =	shalt  }
0x76: {  	_ =	shalt  }
0x77: {  	_ =	shalt  }
0x78: {  	_ =	shalt  }
0x79: {  	_ =	shalt  }
0x7a: {  	_ =	shalt  }
0x7b: {  	_ =	shalt  }
0x7c: {  	_ =	shalt  }
0x7d: {  	_ =	shalt  }
0x7e: {  	_ =	shalt  }
0x7f: {  	_ =	shalt  }
0x80: {  	_ =	shalt  }
0x81: {  	_ =	shalt  }
0x82: {  	_ =	shalt  }
0x83: {  	_ =	shalt  }
0x84: {  	_ =	shalt  }
0x85: {  	_ =	shalt  }
0x86: {  	_ =	shalt  }
0x87: {  	_ =	shalt  }
.Lfunc_end0:
.L_simem_size_0:
called_computation_lowered:
.L_overlay_start_0:
0x88: {  	s2 =	sld [smem:$0x3FD9]  }
0x89: {  	s3 =	sld [smem:$0x3FFE];
	_ =	sdelay $0x1  }
0x8a: {  	s1 =	srdreg.scid  }
0x8b: {  	s0 =	sand.u32 $0x1, s1  }
0x8c: {  	s17 =	sshll.u32 s0, $0xA;
	s2 =	sadd.s32 s3, s2  }
0x8d: {  	s2 =	sadd.s32 s2, s17  }
0x8e: {  	[smem:$0x3FC3] =	sst s2  }
0x8f: {  	_ = 	snop  }
0x90: {  	s2 =	sld [smem:$0x3FC9];
	(tm) =	ssettm $0x1  }
0x91: {  	s18 =	sld [smem:$0x3FFB];
	_ =	sdelay $0x3  }
0x92: {  	_ =	strace s18  }
0x93: {  	s3 =	sld [smem:$0x3FFC];
	_ =	sdelay $0x3  }
0x94: {  	_ =	strace s3  }
0x95: {  	s3 =	sld [smem:$0x3FFD];
	_ =	sdelay $0x3  }
0x96: {  	_ =	strace s3  }
0x97: {  	_ =	strace $0x8FFFFFFF  }
0x98: {  	s19 =	sld [smem:$0x3FDB];
	_ =	sdelay $0x1  }
0x99: {  	s4 =	simm.s32 $_scs_section_size  }
0x9a: {  	s5 =	simm.s32 $_size__tile_overlayer_lowered;
	s6 =	simm.s32 $_tile_overlayer_lowered  }
0x9b: {  	s22 =	simm.s32 $0x1BFF;
	s21 =	sshll.u32 s6, $0x1;
	s3 =	sadd.s32 s4, s19  }
0x9c: {  	s7 =	simm.s32 $0x0;
	s20 =	sshll.u32 s5, $0x1;
	s5 =	sadd.s32 s21, s3  }
0x9d: {  	[timem:s7], [sflag:s22] =	dma.local [hbm:s5], s20  }
0x9e: {  	_ =	swait.ge [sflag:s22], s20  }
0x9f: {  	s4 =	ssub.s32 $0x0, s20;
	[sflag:s22] =	ssyncset.done $0x0  }
0xa0: {  	[sflag:s22] =	ssyncadd.s32 s4;
	_ =	sdelay $0x1  }
0xa1: {  	s23 =	simm.s32 $0x1B8B  }
0xa2: {  	_ =	swait.ge [sflag:s23], $0x1  }
0xa3: {  	[sflag:s23] =	ssyncset.done $0x0  }
0xa4: {  	s25 =	simm.s32 $0x1B8E;
	s24 =	sld [smem:$0x3FFE];
	[sflag:s23] =	ssyncadd.s32 $0xFFFFFFFF  }
0xa5: {  	s26 =	simm.s32 $execute0_lowered;
	[smem:$0x3FD2] =	sst s25  }
0xa6: {  	s5 =	sshll.u32 s26, $0x1;
	_ =	strace $0x80000046;
	[dreg:$0x1] =	wrdreg $0xFFFFFFFF  }
0xa7: {  	s28 =	simm.s32 $_size_execute0_lowered;
	s3 =	sadd.s32 s3, s5;
	[dreg:$0x0] =	wrdreg $0x0  }
0xa8: {  	s5 =	sshll.u32 s28, $0x1;
	[dreg:$0x2] =	wrdreg s3  }
0xa9: {  	[dreg:$0x3] =	wrdreg s5  }
0xaa: {  	[dreg:$0x4] =	wrdreg $0xC0  }
0xab: {  	_ =	task [dreg:s7], $0x5FFFF  }
0xac: {  	[dreg:$0x1] =	wrdreg $0xFFFFFFFF  }
0xad: {  	[dreg:$0x0] =	wrdreg $0x60  }
0xae: {  	[dreg:$0x2] =	wrdreg s2  }
0xaf: {  	[dreg:$0x3] =	wrdreg s24  }
0xb0: {  	[dreg:$0x4] =	wrdreg $0x9  }
0xb1: {  	_ =	task.clear_ibuf [dreg:s7], $0x5FFFF;
	_ =	strace $0x90000046  }
0xb2: {  	s29 =	simm.s32 $0x9;
	_ =	strace $0x80000048  }
0xb3: {  	_ =	swait.ge [sflag:s29], $0x1  }
0xb4: {  	[sflag:s29] =	ssyncadd.s32 $0xFFFFFFFF  }
0xb5: {  	_ =	strace $0x90000048  }
0xb6: {  	_ =	sfence  }
0xb7: {  	s30 =	sld [smem:$0x0];
	_ =	sdelay $0x2  }
0xb8: {  	s31 =	sshll.u32 s1, $0xD;
	s1 =	sshrl.u32 s1, $0x2  }
0xb9: {  	s3 =	sand.u32 $0x4000, s31;
	s1 =	sadd.s32 s1, s30  }
0xba: {  	s0 =	sor.u32 s3, s0;
	s1 =	sshll.u32 s1, $0x11  }
0xbb: {  	s0 =	sor.u32 s1, s0  }
0xbc: {  	s0 =	sadd.s32 $0x8F2B, s0  }
0xbd: {  	[sflag:s0] =	ssyncadd.remote.s32 $0x1  }
0xbe: {  	_ =	sfence.sel $0xFFFF  }
0xbf: {  	[dreg:$0x0] =	wrdreg $0xFFFFFFFF;
	(pc) =	sbr.abs _section_cstart, $3  }
0xc0: {  	[dreg:$0x1] =	wrdreg $0xFFFFFFFF  }
0xc1: {  	_ =	task.clear_ibuf [dreg:s7], $0x2FFFF;
	_ =	strace $0x9FFFFFFF  }
0xc2: {  	(tm) =	ssettm $0x7FFFFFFF  }
0xc3: {  	_ =	shalt  }
tec
execute0_lowered:
.L_overlay_start_1:
0x0: {  	(tag) =	ssettag $0x1  }
0x1: {  	s1 =	srdreg.scid  }
0x2: {  	s0 =	stileid.u32;
	s2 =	rddreg [dreg:$0x0]  }
0x3: {  	s7 =	rddreg [dreg:$0x1];
	s11 =	simm.s32 $0x1;
	s12 =	simm.s32 $0x2  }
0x4: {  	s13 =	simm.s32 $0xC800;
	s4 =	sand.u32 $0x1, s1;
	s29 =	sshll.u32 s0, $0x1  }
0x5: {  	s14 =	simm.s32 $0x3;
	s30 =	sshrl.u32 s0, $0x3;
	s5 =	sor.u32 s4, s29  }
0x6: {  	s15 =	simm.s32 $0x0;
	s6 =	smul.u32 $0xC35000, s30;
	s3 =	sand.u32 $0xF, s5  }
0x7: {  	s1 =	rddreg [dreg:$0x2];
	s9 =	ssub.s32 $0x2, s4;
	s8 =	smul.u32 $0x3E800, s3  }
0x8: {  	s5 =	sshll.u32 s5, $0x4;
	s31 =	sshrl.u32 s9, $0x1;
	s3 =	simm.s32 $0x0  }
.Ltmp0:
0x9: {  	s10 =	sadd.s32 s5, s7;
	s8 =	sadd.s32 s8, s6;
	(pc) =	sbr.rel .LBB2_1-.Ltmp0, $4  }
0xa: {  	s9 =	ssub.s32 s9, s31;
	[smem:$0x7FF] =	sst s3;
	s6 =	sshrl.u32 s8, $0x3  }
0xb: {  	_ =	strace $0x80000047;
	s7 =	sadd.s32 $0x85FC00, s8;
	s6 =	sadd.s32 s2, s6  }
0xc: {  	s9 =	smax.u32 s9, $0x1;
	s4 =	sadd.s32 $0x109A00, s6;
	s5 =	sadd.s32 $0x10A680, s6  }
0xd: {  	s6 =	sadd.s32 $0x859800, s8;
	s8 =	sadd.s32 $0xC00, s10;
	s10 =	simm.s32 $0x6400  }
.LBB2_8:
0xe: {  	[tilespmem:$0xC800] =	vst v30  }
0xf: {  	[tilespmem:$0xC810] =	vst v29  }
0x10: {  	[tilespmem:$0xC820] =	vst v22  }
0x11: {  	[tilespmem:$0xC830] =	vst v19  }
0x12: {  	[tilespmem:$0xC840] =	vst v11  }
0x13: {  	[tilespmem:$0xC850] =	vst v10;
	s15 =	sadd.s32 $0x1, s15  }
0x14: {  	[tilespmem:$0xC860] =	vst v9;
	p0 =	sne.s32 s15, s9  }
.Ltmp1:
0x15: {  	[tilespmem:$0xC870] =	vst v8;
	(pc) =	sbr.rel @!p0 .LBB2_9-.Ltmp1, $4  }
0x16: {  	[hbm4b:s8+s3] =	stream.linear.scatter [tilespmem:s13], [sflag:$0x3], $0x80, $0x38;
	[tilespmem:$0xC880] =	vst v63  }
0x17: {  	_ =	swait.ge [sflag:s14], $0x80  }
0x18: {  	[sflag:s14] =	ssyncset.done $0x0  }
0x19: {  	[sflag:s14] =	ssyncadd.s32 $0xFFFFFF80  }
.LBB2_1:
0x1a: {  	[tilespmem:s3], [sflag:$0x1] =	stream.linear.gather [hbm4b:s4+s3], $0x6400, $0x38;
	v8 =	vimm.f32 $0.0e+00;
	v9 =	vimm.f32 $0.0e+00;
	[tilespmem:$0xC880] =	vst v63  }
0x1b: {  	v10 =	vimm.f32 $0.0e+00;
	v11 =	vimm.f32 $0.0e+00;
	v19 =	vimm.f32 $0.0e+00;
	s16 =	simm.s32 $0x0  }
0x1c: {  	v22 =	vimm.f32 $0.0e+00;
	v29 =	vimm.f32 $0.0e+00;
	v30 =	vimm.f32 $0.0e+00;
	[tilespmem:s10], [sflag:$0x2] =	stream.linear.gather [hbm4b:s5+s3], $0x6400, $0x38;
	[tilespmem:$0xC880] =	vst v63  }
.LBB2_2:
0x1d: {  	_ =	swait.ge [sflag:s11], $0x6400  }
0x1e: {  	[sflag:s11] =	ssyncset.done $0x0  }
0x1f: {  	s17 =	simm.s32 $0x0;
	[sflag:s11] =	ssyncadd.s32 $0xFFFF9C00  }
0x20: {  	v16 =	vld [tilespmem:s17+$0x70]  }
0x21: {  	v17 =	vld [tilespmem:s17+$0xF0]  }
0x22: {  	v18 =	vld [tilespmem:s17+$0x170]  }
0x23: {  	v20 =	vld [tilespmem:s17+$0x1F0]  }
0x24: {  	v0 =	vld [tilespmem:s17+$0x270]  }
0x25: {  	v1 =	vld [tilespmem:s17+$0x2F0]  }
0x26: {  	v15 =	vld [tilespmem:s17+$0x60]  }
0x27: {  	v28 =	vld [tilespmem:s17+$0xE0]  }
0x28: {  	v26 =	vld [tilespmem:s17+$0x160]  }
0x29: {  	v27 =	vld [tilespmem:s17+$0x1E0]  }
0x2a: {  	v4 =	vld [tilespmem:s17+$0x260]  }
0x2b: {  	v5 =	vld [tilespmem:s17+$0x2E0]  }
0x2c: {  	v2 =	vld [tilespmem:s17+$0x50]  }
0x2d: {  	v3 =	vld [tilespmem:s17+$0xD0]  }
0x2e: {  	v6 =	vld [tilespmem:s17+$0x150]  }
0x2f: {  	v7 =	vld [tilespmem:s17+$0x1D0]  }
0x30: {  	v12 =	vld [tilespmem:s17+$0x250]  }
0x31: {  	v13 =	vld [tilespmem:s17+$0x2D0]  }
0x32: {  	v14 =	vld [tilespmem:s17+$0x40]  }
0x33: {  	v23 =	vld [tilespmem:s17+$0xC0]  }
0x34: {  	v25 =	vld [tilespmem:s17+$0x140]  }
0x35: {  	v31 =	vld [tilespmem:s17+$0x1C0]  }
0x36: {  	v21 =	vld [tilespmem:s17+$0x240]  }
0x37: {  	v24 =	vld [tilespmem:s17+$0x2C0]  }
0x38: {  	v32 =	vld [tilespmem:s17+$0x30]  }
0x39: {  	v36 =	vld [tilespmem:s17+$0xB0]  }
0x3a: {  	v34 =	vld [tilespmem:s17+$0x20]  }
0x3b: {  	v35 =	vld [tilespmem:s17+$0xA0]  }
0x3c: {  	v33 =	vld [tilespmem:s17+$0x10]  }
0x3d: {  	v37 =	vld [tilespmem:s17+$0x90]  }
0x3e: {  	v38 =	vld [tilespmem:s17+$0x0]  }
0x3f: {  	v39 =	vld [tilespmem:s17+$0x80]  }
0x40: {  	v40 =	vld [tilespmem:s17+$0x100]  }
0x41: {  	v41 =	vld [tilespmem:s17+$0x180]  }
0x42: {  	v42 =	vld [tilespmem:s17+$0x110]  }
0x43: {  	v43 =	vld [tilespmem:s17+$0x190]  }
0x44: {  	v44 =	vld [tilespmem:s17+$0x120]  }
0x45: {  	v61 =	vld [tilespmem:s17+$0x1A0];
	v30 =	vadd.f32 v38, v30;
	v29 =	vadd.f32 v39, v29  }
0x46: {  	v62 =	vld [tilespmem:s17+$0x130];
	v22 =	vadd.f32 v40, v22;
	v19 =	vadd.f32 v41, v19  }
0x47: {  	v63 =	vld [tilespmem:s17+$0x1B0];
	v30 =	vadd.f32 v33, v30;
	v29 =	vadd.f32 v37, v29  }
0x48: {  	v38 =	vld [tilespmem:s17+$0x290];
	v22 =	vadd.f32 v42, v22;
	v19 =	vadd.f32 v43, v19  }
0x49: {  	v39 =	vld [tilespmem:s17+$0x200];
	v30 =	vadd.f32 v34, v30;
	v29 =	vadd.f32 v35, v29  }
0x4a: {  	v40 =	vld [tilespmem:s17+$0x280];
	v22 =	vadd.f32 v44, v22;
	v19 =	vadd.f32 v61, v19  }
0x4b: {  	v41 =	vld [tilespmem:s17+$0x300];
	v30 =	vadd.f32 v32, v30;
	v29 =	vadd.f32 v36, v29  }
0x4c: {  	v33 =	vld [tilespmem:s17+$0x230];
	v22 =	vadd.f32 v62, v22;
	v19 =	vadd.f32 v63, v19  }
0x4d: {  	v37 =	vld [tilespmem:s17+$0x210];
	v14 =	vadd.f32 v14, v30;
	v23 =	vadd.f32 v23, v29  }
0x4e: {  	v34 =	vld [tilespmem:s17+$0x2B0];
	v22 =	vadd.f32 v25, v22;
	v19 =	vadd.f32 v31, v19  }
0x4f: {  	v35 =	vld [tilespmem:s17+$0x220];
	v42 =	vadd.f32 v2, v14;
	v43 =	vadd.f32 v3, v23  }
0x50: {  	s18 =	simm.s32 $0x1000;
	v36 =	vld [tilespmem:s17+$0x2A0];
	v44 =	vadd.f32 v6, v22;
	v45 =	vadd.f32 v7, v19  }
.LBB2_3:
0x51: {  	p0 =	sne.s32 s18, $0x18000;
	v2 =	vadd.f32 v15, v42;
	v6 =	vadd.f32 v28, v43;
	v14 =	vld [tilespmem:s17+$0x380]  }
0x52: {  	v7 =	vadd.f32 v26, v44;
	v15 =	vadd.f32 v27, v45;
	v19 =	vld [tilespmem:s17+$0x310]  }
0x53: {  	v3 =	vadd.f32 v16, v2;
	v6 =	vadd.f32 v17, v6;
	v16 =	vld [tilespmem:s17+$0x390]  }
0x54: {  	v7 =	vadd.f32 v18, v7;
	v2 =	vadd.f32 v20, v15;
	v15 =	vld [tilespmem:s17+$0x320]  }
0x55: {  	v11 =	vadd.f32 v39, v11;
	v10 =	vadd.f32 v40, v10;
	v17 =	vld [tilespmem:s17+$0x3A0]  }
0x56: {  	v9 =	vadd.f32 v41, v9;
	v18 =	vld [tilespmem:s17+$0x330];
	v8 =	vadd.f32 v14, v8  }
0x57: {  	v11 =	vadd.f32 v37, v11;
	v10 =	vadd.f32 v38, v10;
	v14 =	vld [tilespmem:s17+$0x3B0]  }
0x58: {  	v9 =	vadd.f32 v19, v9;
	v19 =	vld [tilespmem:s17+$0x340];
	v8 =	vadd.f32 v16, v8  }
0x59: {  	v11 =	vadd.f32 v35, v11;
	v10 =	vadd.f32 v36, v10;
	v16 =	vld [tilespmem:s17+$0x3C0]  }
0x5a: {  	v9 =	vadd.f32 v15, v9;
	v15 =	vld [tilespmem:s17+$0x350];
	v8 =	vadd.f32 v17, v8  }
0x5b: {  	v11 =	vadd.f32 v33, v11;
	v10 =	vadd.f32 v34, v10;
	v17 =	vld [tilespmem:s17+$0x3D0]  }
0x5c: {  	v9 =	vadd.f32 v18, v9;
	v20 =	vld [tilespmem:s17+$0x360];
	v8 =	vadd.f32 v14, v8  }
0x5d: {  	v11 =	vadd.f32 v21, v11;
	v10 =	vadd.f32 v24, v10;
	v14 =	vld [tilespmem:s17+$0x3E0]  }
0x5e: {  	v9 =	vadd.f32 v19, v9;
	v19 =	vld [tilespmem:s17+$0x370];
	v8 =	vadd.f32 v16, v8  }
0x5f: {  	v11 =	vadd.f32 v12, v11;
	v10 =	vadd.f32 v13, v10;
	v12 =	vld [tilespmem:s17+$0x3F0];
	s17 =	sshra.s32 s18, $0x2  }
0x60: {  	v9 =	vadd.f32 v15, v9;
	v16 =	vld [tilespmem:s17+$0x70];
	v8 =	vadd.f32 v17, v8  }
0x61: {  	v4 =	vadd.f32 v4, v11;
	v5 =	vadd.f32 v5, v10;
	v17 =	vld [tilespmem:s17+$0xF0]  }
0x62: {  	v9 =	vadd.f32 v20, v9;
	v18 =	vld [tilespmem:s17+$0x170];
	v8 =	vadd.f32 v14, v8  }
0x63: {  	v11 =	vadd.f32 v0, v4;
	v10 =	vadd.f32 v1, v5;
	v20 =	vld [tilespmem:s17+$0x1F0]  }
0x64: {  	v9 =	vadd.f32 v19, v9;
	v0 =	vld [tilespmem:s17+$0x270];
	v8 =	vadd.f32 v12, v8  }
0x65: {  	v1 =	vld [tilespmem:s17+$0x2F0]  }
0x66: {  	v15 =	vld [tilespmem:s17+$0x60]  }
0x67: {  	v28 =	vld [tilespmem:s17+$0xE0]  }
0x68: {  	v26 =	vld [tilespmem:s17+$0x160]  }
0x69: {  	v27 =	vld [tilespmem:s17+$0x1E0]  }
0x6a: {  	v4 =	vld [tilespmem:s17+$0x260]  }
0x6b: {  	v5 =	vld [tilespmem:s17+$0x2E0]  }
0x6c: {  	v14 =	vld [tilespmem:s17+$0x50]  }
0x6d: {  	v19 =	vld [tilespmem:s17+$0xD0]  }
0x6e: {  	v22 =	vld [tilespmem:s17+$0x150]  }
0x6f: {  	v23 =	vld [tilespmem:s17+$0x1D0]  }
0x70: {  	v12 =	vld [tilespmem:s17+$0x250]  }
0x71: {  	v13 =	vld [tilespmem:s17+$0x2D0]  }
0x72: {  	v25 =	vld [tilespmem:s17+$0x40]  }
0x73: {  	v29 =	vld [tilespmem:s17+$0xC0]  }
0x74: {  	v30 =	vld [tilespmem:s17+$0x140]  }
0x75: {  	v31 =	vld [tilespmem:s17+$0x1C0]  }
0x76: {  	v21 =	vld [tilespmem:s17+$0x240]  }
0x77: {  	v24 =	vld [tilespmem:s17+$0x2C0]  }
0x78: {  	v32 =	vld [tilespmem:s17+$0x30]  }
0x79: {  	v36 =	vld [tilespmem:s17+$0xB0]  }
0x7a: {  	v34 =	vld [tilespmem:s17+$0x20]  }
0x7b: {  	v35 =	vld [tilespmem:s17+$0xA0]  }
0x7c: {  	v33 =	vld [tilespmem:s17+$0x10]  }
0x7d: {  	v37 =	vld [tilespmem:s17+$0x90]  }
0x7e: {  	v38 =	vld [tilespmem:s17+$0x0]  }
0x7f: {  	v39 =	vld [tilespmem:s17+$0x80]  }
0x80: {  	v40 =	vld [tilespmem:s17+$0x100]  }
0x81: {  	v41 =	vld [tilespmem:s17+$0x180]  }
0x82: {  	v42 =	vld [tilespmem:s17+$0x110]  }
0x83: {  	v43 =	vld [tilespmem:s17+$0x190]  }
0x84: {  	v44 =	vld [tilespmem:s17+$0x120]  }
0x85: {  	v3 =	vadd.f32 v38, v3;
	v6 =	vadd.f32 v39, v6;
	v38 =	vld [tilespmem:s17+$0x1A0]  }
0x86: {  	v7 =	vadd.f32 v40, v7;
	v39 =	vld [tilespmem:s17+$0x130];
	v2 =	vadd.f32 v41, v2  }
0x87: {  	v3 =	vadd.f32 v33, v3;
	v6 =	vadd.f32 v37, v6;
	v37 =	vld [tilespmem:s17+$0x1B0]  }
0x88: {  	v7 =	vadd.f32 v42, v7;
	v2 =	vadd.f32 v43, v2;
	v33 =	vld [tilespmem:s17+$0x230]  }
0x89: {  	v3 =	vadd.f32 v34, v3;
	v6 =	vadd.f32 v35, v6;
	v34 =	vld [tilespmem:s17+$0x2B0]  }
0x8a: {  	v7 =	vadd.f32 v44, v7;
	v2 =	vadd.f32 v38, v2;
	v35 =	vld [tilespmem:s17+$0x220]  }
0x8b: {  	v3 =	vadd.f32 v32, v3;
	v6 =	vadd.f32 v36, v6;
	v36 =	vld [tilespmem:s17+$0x2A0]  }
.Ltmp2:
0x8c: {  	v7 =	vadd.f32 v39, v7;
	v2 =	vadd.f32 v37, v2;
	v37 =	vld [tilespmem:s17+$0x210];
	(pc) =	sbr.rel @p0 .LBB2_3-.Ltmp2, $4  }
0x8d: {  	v3 =	vadd.f32 v25, v3;
	v6 =	vadd.f32 v29, v6;
	v38 =	vld [tilespmem:s17+$0x290]  }
0x8e: {  	v7 =	vadd.f32 v30, v7;
	v2 =	vadd.f32 v31, v2;
	v39 =	vld [tilespmem:s17+$0x200]  }
0x8f: {  	v42 =	vadd.f32 v14, v3;
	v43 =	vadd.f32 v19, v6;
	v40 =	vld [tilespmem:s17+$0x280]  }
0x90: {  	s18 =	sadd.s32 $0x1000, s18;
	v44 =	vadd.f32 v22, v7;
	v45 =	vadd.f32 v23, v2;
	v41 =	vld [tilespmem:s17+$0x300]  }
0x91: {  	v46 =	vld [tilespmem:s17+$0x380]  }
0x92: {  	v47 =	vld [tilespmem:s17+$0x310]  }
0x93: {  	v48 =	vld [tilespmem:s17+$0x390]  }
0x94: {  	v49 =	vld [tilespmem:s17+$0x320]  }
0x95: {  	v50 =	vld [tilespmem:s17+$0x3A0]  }
0x96: {  	v51 =	vld [tilespmem:s17+$0x330]  }
0x97: {  	v52 =	vld [tilespmem:s17+$0x3B0]  }
0x98: {  	v53 =	vld [tilespmem:s17+$0x340]  }
0x99: {  	v54 =	vld [tilespmem:s17+$0x3C0]  }
0x9a: {  	v55 =	vld [tilespmem:s17+$0x350];
	p0 =	seq.s32 s16, $0x4  }
0x9b: {  	v56 =	vld [tilespmem:s17+$0x3D0];
	s18 =	smul.u32 @!p0 $0xC800, s16  }
0x9c: {  	v57 =	vld [tilespmem:s17+$0x360]  }
0x9d: {  	v58 =	vld [tilespmem:s17+$0x3E0];
	s18 =	sadd.s32 @!p0 s18, s6  }
0x9e: {  	v59 =	vld [tilespmem:s17+$0x370];
	s18 =	sshrl.u32 @!p0 s18, $0x3  }
0x9f: {  	v60 =	vld [tilespmem:s17+$0x3F0];
	s17 =	sadd.s32 @!p0 s2, s18;
	s18 =	simm.s32 @!p0 $0x0  }
0xa0: {  	[tilespmem:s18], [sflag:$0x1] =	stream.linear.gather @!p0 [hbm4b:s17+s18], $0x6400, $0x38;
	[tilespmem:$0xC880] =	vst v63  }
0xa1: {  	_ =	swait.ge [sflag:s12], $0x6400  }
0xa2: {  	[sflag:s12] =	ssyncset.done $0x0  }
0xa3: {  	s17 =	simm.s32 $0x0;
	[sflag:s12] =	ssyncadd.s32 $0xFFFF9C00  }
0xa4: {  	v19 =	vld [tilespmem:s17+$0x6470]  }
0xa5: {  	v22 =	vld [tilespmem:s17+$0x64F0]  }
0xa6: {  	v23 =	vld [tilespmem:s17+$0x6570]  }
0xa7: {  	v25 =	vld [tilespmem:s17+$0x65F0]  }
0xa8: {  	v2 =	vld [tilespmem:s17+$0x6670]  }
0xa9: {  	v3 =	vld [tilespmem:s17+$0x66F0]  }
0xaa: {  	v30 =	vld [tilespmem:s17+$0x6460]  }
0xab: {  	v32 =	vld [tilespmem:s17+$0x64E0]  }
0xac: {  	v29 =	vld [tilespmem:s17+$0x6560]  }
0xad: {  	v31 =	vld [tilespmem:s17+$0x65E0]  }
0xae: {  	v6 =	vld [tilespmem:s17+$0x6660]  }
0xaf: {  	v7 =	vld [tilespmem:s17+$0x66E0]  }
0xb0: {  	v61 =	vld [tilespmem:s17+$0x6450]  }
0xb1: {  	v62 =	vld [tilespmem:s17+$0x64D0]  }
0xb2: {  	v63 =	vld [tilespmem:s17+$0x6550]  }
0xb3: {  	v42 =	vadd.f32 v15, v42;
	v28 =	vadd.f32 v28, v43;
	v14 =	vld [tilespmem:s17+$0x65D0]  }
0xb4: {  	v26 =	vadd.f32 v26, v44;
	v27 =	vadd.f32 v27, v45;
	v15 =	vld [tilespmem:s17+$0x66D0]  }
0xb5: {  	v16 =	vadd.f32 v16, v42;
	v17 =	vadd.f32 v17, v28;
	v43 =	vld [tilespmem:s17+$0x6440]  }
0xb6: {  	v11 =	vadd.f32 v39, v11;
	v18 =	vadd.f32 v18, v26;
	v28 =	vld [tilespmem:s17+$0x64C0]  }
0xb7: {  	v20 =	vadd.f32 v20, v27;
	v10 =	vadd.f32 v40, v10;
	v26 =	vld [tilespmem:s17+$0x6540]  }
0xb8: {  	v45 =	vadd.f32 v41, v9;
	v46 =	vadd.f32 v46, v8;
	v27 =	vld [tilespmem:s17+$0x65C0]  }
0xb9: {  	v11 =	vadd.f32 v37, v11;
	v10 =	vadd.f32 v38, v10;
	v8 =	vld [tilespmem:s17+$0x6640]  }
0xba: {  	v47 =	vadd.f32 v47, v45;
	v42 =	vadd.f32 v48, v46;
	v9 =	vld [tilespmem:s17+$0x66C0]  }
0xbb: {  	v11 =	vadd.f32 v35, v11;
	v10 =	vadd.f32 v36, v10;
	v44 =	vld [tilespmem:s17+$0x6430]  }
0xbc: {  	v46 =	vadd.f32 v49, v47;
	v47 =	vadd.f32 v50, v42;
	v45 =	vld [tilespmem:s17+$0x64B0]  }
0xbd: {  	v11 =	vadd.f32 v33, v11;
	v10 =	vadd.f32 v34, v10;
	v48 =	vld [tilespmem:s17+$0x6420]  }
0xbe: {  	v49 =	vld [tilespmem:s17+$0x64A0];
	v50 =	vadd.f32 v51, v46;
	v51 =	vadd.f32 v52, v47  }
0xbf: {  	v11 =	vadd.f32 v21, v11;
	v21 =	vld [tilespmem:s17+$0x6490];
	v10 =	vadd.f32 v24, v10  }
0xc0: {  	v52 =	vld [tilespmem:s17+$0x6410];
	v24 =	vadd.f32 v53, v50;
	v53 =	vadd.f32 v54, v51  }
0xc1: {  	v11 =	vadd.f32 v12, v11;
	v54 =	vld [tilespmem:s17+$0x6400];
	v10 =	vadd.f32 v13, v10  }
0xc2: {  	v12 =	vld [tilespmem:s17+$0x6480];
	v13 =	vadd.f32 v55, v24;
	v24 =	vadd.f32 v56, v53  }
0xc3: {  	v4 =	vadd.f32 v4, v11;
	v5 =	vadd.f32 v5, v10;
	v10 =	vld [tilespmem:s17+$0x6580]  }
0xc4: {  	[tilespmem:$0x1FFF0] =	vst v14;
	v14 =	vld [tilespmem:s17+$0x6650];
	v11 =	vadd.f32 v57, v13;
	v13 =	vadd.f32 v58, v24  }
0xc5: {  	v4 =	vadd.f32 v0, v4;
	v57 =	vld [tilespmem:s17+$0x6590]  }
0xc6: {  	v56 =	vld [tilespmem:s17+$0x6500];
	v0 =	vadd.f32 v60, v13;
	v13 =	vadd.f32 v54, v16  }
0xc7: {  	v1 =	vadd.f32 v1, v5;
	v12 =	vadd.f32 v12, v17;
	v58 =	vld [tilespmem:s17+$0x65A0]  }
0xc8: {  	v24 =	vld [tilespmem:s17+$0x6510];
	v10 =	vadd.f32 v10, v20;
	v13 =	vadd.f32 v52, v13  }
0xc9: {  	v5 =	vadd.f32 v59, v11;
	v12 =	vadd.f32 v21, v12;
	v21 =	vld [tilespmem:s17+$0x65B0]  }
0xca: {  	v11 =	vld [tilespmem:s17+$0x6520];
	v10 =	vadd.f32 v57, v10;
	v13 =	vadd.f32 v48, v13  }
0xcb: {  	v17 =	vld [tilespmem:s17+$0x66B0];
	v16 =	vadd.f32 v56, v18  }
0xcc: {  	v59 =	vld [tilespmem:s17+$0x6530];
	v10 =	vadd.f32 v58, v10;
	v13 =	vadd.f32 v44, v13  }
0xcd: {  	v20 =	vld [tilespmem:s17+$0x66A0];
	v12 =	vadd.f32 v49, v12;
	v18 =	vadd.f32 v24, v16  }
0xce: {  	v16 =	vld [tilespmem:s17+$0x6630];
	v10 =	vadd.f32 v21, v10;
	v13 =	vadd.f32 v43, v13  }
0xcf: {  	v24 =	vld [tilespmem:s17+$0x6690];
	v12 =	vadd.f32 v45, v12;
	v11 =	vadd.f32 v11, v18  }
0xd0: {  	v60 =	vadd.f32 v27, v10;
	v10 =	vadd.f32 v61, v13;
	v13 =	vld [tilespmem:$0x1FFF0]  }
0xd1: {  	v18 =	vld [tilespmem:s17+$0x6620];
	v11 =	vadd.f32 v59, v11  }
0xd2: {  	v12 =	vadd.f32 v28, v12;
	v21 =	vld [tilespmem:s17+$0x6610]  }
0xd3: {  	v28 =	vadd.f32 v26, v11;
	v26 =	vld [tilespmem:s17+$0x6600]  }
0xd4: {  	v11 =	vadd.f32 v62, v12;
	v27 =	vld [tilespmem:s17+$0x6680]  }
0xd5: {  	s18 =	simm.s32 $0x1000;
	v12 =	vadd.f32 v63, v28;
	v28 =	vld [tilespmem:s17+$0x6700];
	v13 =	vadd.f32 v13, v60  }
.LBB2_5:
0xd6: {  	p1 =	sne.s32 s18, $0x18000;
	v10 =	vadd.f32 v30, v10;
	v30 =	vadd.f32 v32, v11;
	v32 =	vld [tilespmem:s17+$0x6780]  }
0xd7: {  	v29 =	vadd.f32 v29, v12;
	v31 =	vadd.f32 v31, v13;
	v33 =	vld [tilespmem:s17+$0x6710]  }
0xd8: {  	v11 =	vadd.f32 v19, v10;
	v12 =	vadd.f32 v22, v30;
	v19 =	vld [tilespmem:s17+$0x6790]  }
0xd9: {  	v13 =	vadd.f32 v23, v29;
	v10 =	vadd.f32 v25, v31;
	v22 =	vld [tilespmem:s17+$0x6720]  }
0xda: {  	v4 =	vadd.f32 v26, v4;
	v1 =	vadd.f32 v27, v1;
	v23 =	vld [tilespmem:s17+$0x67A0]  }
0xdb: {  	v5 =	vadd.f32 v28, v5;
	v25 =	vld [tilespmem:s17+$0x6730];
	v0 =	vadd.f32 v32, v0  }
0xdc: {  	v4 =	vadd.f32 v21, v4;
	v1 =	vadd.f32 v24, v1;
	v21 =	vld [tilespmem:s17+$0x67B0]  }
0xdd: {  	v5 =	vadd.f32 v33, v5;
	v24 =	vld [tilespmem:s17+$0x6740];
	v0 =	vadd.f32 v19, v0  }
0xde: {  	v4 =	vadd.f32 v18, v4;
	v1 =	vadd.f32 v20, v1;
	v18 =	vld [tilespmem:s17+$0x67C0]  }
0xdf: {  	v5 =	vadd.f32 v22, v5;
	v20 =	vld [tilespmem:s17+$0x6750];
	v0 =	vadd.f32 v23, v0  }
0xe0: {  	v4 =	vadd.f32 v16, v4;
	v1 =	vadd.f32 v17, v1;
	v16 =	vld [tilespmem:s17+$0x67D0]  }
0xe1: {  	v5 =	vadd.f32 v25, v5;
	v17 =	vld [tilespmem:s17+$0x6760];
	v0 =	vadd.f32 v21, v0  }
0xe2: {  	v4 =	vadd.f32 v8, v4;
	v1 =	vadd.f32 v9, v1;
	v8 =	vld [tilespmem:s17+$0x67E0]  }
0xe3: {  	v5 =	vadd.f32 v24, v5;
	v9 =	vld [tilespmem:s17+$0x6770];
	v0 =	vadd.f32 v18, v0  }
0xe4: {  	v4 =	vadd.f32 v14, v4;
	v1 =	vadd.f32 v15, v1;
	v14 =	vld [tilespmem:s17+$0x67F0];
	s17 =	sshra.s32 s18, $0x2  }
0xe5: {  	v5 =	vadd.f32 v20, v5;
	v19 =	vld [tilespmem:s17+$0x6470];
	v0 =	vadd.f32 v16, v0  }
0xe6: {  	v4 =	vadd.f32 v6, v4;
	v1 =	vadd.f32 v7, v1;
	v22 =	vld [tilespmem:s17+$0x64F0]  }
0xe7: {  	v5 =	vadd.f32 v17, v5;
	v23 =	vld [tilespmem:s17+$0x6570];
	v0 =	vadd.f32 v8, v0  }
0xe8: {  	v4 =	vadd.f32 v2, v4;
	v1 =	vadd.f32 v3, v1;
	v25 =	vld [tilespmem:s17+$0x65F0]  }
0xe9: {  	v5 =	vadd.f32 v9, v5;
	v2 =	vld [tilespmem:s17+$0x6670];
	v0 =	vadd.f32 v14, v0  }
0xea: {  	v3 =	vld [tilespmem:s17+$0x66F0]  }
0xeb: {  	v30 =	vld [tilespmem:s17+$0x6460]  }
0xec: {  	v32 =	vld [tilespmem:s17+$0x64E0]  }
0xed: {  	v29 =	vld [tilespmem:s17+$0x6560]  }
0xee: {  	v31 =	vld [tilespmem:s17+$0x65E0]  }
0xef: {  	v6 =	vld [tilespmem:s17+$0x6660]  }
0xf0: {  	v7 =	vld [tilespmem:s17+$0x66E0]  }
0xf1: {  	v27 =	vld [tilespmem:s17+$0x6450]  }
0xf2: {  	v28 =	vld [tilespmem:s17+$0x64D0]  }
0xf3: {  	v33 =	vld [tilespmem:s17+$0x6550]  }
0xf4: {  	v34 =	vld [tilespmem:s17+$0x65D0]  }
0xf5: {  	v14 =	vld [tilespmem:s17+$0x6650]  }
0xf6: {  	v15 =	vld [tilespmem:s17+$0x66D0]  }
0xf7: {  	v24 =	vld [tilespmem:s17+$0x6440]  }
0xf8: {  	v26 =	vld [tilespmem:s17+$0x64C0]  }
0xf9: {  	v35 =	vld [tilespmem:s17+$0x6540]  }
0xfa: {  	v36 =	vld [tilespmem:s17+$0x65C0]  }
0xfb: {  	v8 =	vld [tilespmem:s17+$0x6640]  }
0xfc: {  	v9 =	vld [tilespmem:s17+$0x66C0]  }
0xfd: {  	v20 =	vld [tilespmem:s17+$0x6430]  }
0xfe: {  	v21 =	vld [tilespmem:s17+$0x64B0]  }
0xff: {  	v17 =	vld [tilespmem:s17+$0x6420]  }
0x100: {  	v18 =	vld [tilespmem:s17+$0x64A0]  }
0x101: {  	v16 =	vld [tilespmem:s17+$0x6410]  }
0x102: {  	v37 =	vld [tilespmem:s17+$0x6490]  }
0x103: {  	v38 =	vld [tilespmem:s17+$0x6400]  }
0x104: {  	v39 =	vld [tilespmem:s17+$0x6480]  }
0x105: {  	v40 =	vld [tilespmem:s17+$0x6500]  }
0x106: {  	v41 =	vld [tilespmem:s17+$0x6580]  }
0x107: {  	v42 =	vld [tilespmem:s17+$0x6510]  }
0x108: {  	v43 =	vld [tilespmem:s17+$0x6590]  }
0x109: {  	v44 =	vld [tilespmem:s17+$0x6520]  }
0x10a: {  	v11 =	vadd.f32 v38, v11;
	v12 =	vadd.f32 v39, v12;
	v38 =	vld [tilespmem:s17+$0x65A0]  }
0x10b: {  	v13 =	vadd.f32 v40, v13;
	v39 =	vld [tilespmem:s17+$0x6530];
	v10 =	vadd.f32 v41, v10  }
0x10c: {  	v11 =	vadd.f32 v16, v11;
	v12 =	vadd.f32 v37, v12;
	v37 =	vld [tilespmem:s17+$0x65B0]  }
0x10d: {  	v13 =	vadd.f32 v42, v13;
	v10 =	vadd.f32 v43, v10;
	v16 =	vld [tilespmem:s17+$0x6630]  }
0x10e: {  	v11 =	vadd.f32 v17, v11;
	v12 =	vadd.f32 v18, v12;
	v17 =	vld [tilespmem:s17+$0x66B0]  }
0x10f: {  	v13 =	vadd.f32 v44, v13;
	v10 =	vadd.f32 v38, v10;
	v18 =	vld [tilespmem:s17+$0x6620]  }
0x110: {  	v11 =	vadd.f32 v20, v11;
	v12 =	vadd.f32 v21, v12;
	v20 =	vld [tilespmem:s17+$0x66A0]  }
.Ltmp3:
0x111: {  	v13 =	vadd.f32 v39, v13;
	v10 =	vadd.f32 v37, v10;
	v21 =	vld [tilespmem:s17+$0x6610];
	(pc) =	sbr.rel @p1 .LBB2_5-.Ltmp3, $4  }
0x112: {  	v11 =	vadd.f32 v24, v11;
	v12 =	vadd.f32 v26, v12;
	v24 =	vld [tilespmem:s17+$0x6690]  }
0x113: {  	v13 =	vadd.f32 v35, v13;
	v35 =	vadd.f32 v36, v10;
	v26 =	vld [tilespmem:s17+$0x6600]  }
0x114: {  	v10 =	vadd.f32 v27, v11;
	v11 =	vadd.f32 v28, v12;
	v27 =	vld [tilespmem:s17+$0x6680]  }
0x115: {  	s18 =	sadd.s32 $0x1000, s18;
	v12 =	vadd.f32 v33, v13;
	v13 =	vadd.f32 v34, v35;
	v28 =	vld [tilespmem:s17+$0x6700]  }
0x116: {  	v10 =	vadd.f32 v30, v10;
	v11 =	vadd.f32 v32, v11;
	v58 =	vld [tilespmem:s17+$0x6780]  }
0x117: {  	v12 =	vadd.f32 v29, v12;
	v13 =	vadd.f32 v31, v13;
	v31 =	vld [tilespmem:s17+$0x6710]  }
0x118: {  	v30 =	vadd.f32 v19, v10;
	v29 =	vadd.f32 v22, v11;
	v10 =	vld [tilespmem:s17+$0x6790]  }
0x119: {  	v59 =	vld [tilespmem:s17+$0x67A0];
	v4 =	vadd.f32 v26, v4;
	v22 =	vadd.f32 v23, v12  }
0x11a: {  	v11 =	vld [tilespmem:s17+$0x6720];
	v19 =	vadd.f32 v25, v13;
	v1 =	vadd.f32 v27, v1  }
0x11b: {  	v60 =	vld [tilespmem:s17+$0x6730];
	v5 =	vadd.f32 v28, v5;
	v0 =	vadd.f32 v58, v0  }
0x11c: {  	v4 =	vadd.f32 v21, v4;
	v21 =	vld [tilespmem:s17+$0x67B0];
	v1 =	vadd.f32 v24, v1  }
0x11d: {  	v23 =	vld [tilespmem:s17+$0x6740];
	v5 =	vadd.f32 v31, v5;
	v0 =	vadd.f32 v10, v0  }
0x11e: {  	v4 =	vadd.f32 v18, v4;
	v1 =	vadd.f32 v20, v1;
	v10 =	vld [tilespmem:s17+$0x67C0]  }
0x11f: {  	v61 =	vld [tilespmem:s17+$0x67D0];
	v5 =	vadd.f32 v11, v5;
	v0 =	vadd.f32 v59, v0  }
0x120: {  	v11 =	vld [tilespmem:s17+$0x6750];
	v4 =	vadd.f32 v16, v4;
	v1 =	vadd.f32 v17, v1  }
0x121: {  	v62 =	vld [tilespmem:s17+$0x6760];
	v5 =	vadd.f32 v60, v5;
	v0 =	vadd.f32 v21, v0  }
0x122: {  	v4 =	vadd.f32 v8, v4;
	v8 =	vld [tilespmem:s17+$0x67E0];
	v1 =	vadd.f32 v9, v1  }
0x123: {  	v63 =	vld [tilespmem:s17+$0x67F0];
	v5 =	vadd.f32 v23, v5;
	v0 =	vadd.f32 v10, v0  }
0x124: {  	v9 =	vld [tilespmem:s17+$0x6770];
	v4 =	vadd.f32 v14, v4;
	v1 =	vadd.f32 v15, v1  }
.Ltmp4:
0x125: {  	v5 =	vadd.f32 v11, v5;
	v0 =	vadd.f32 v61, v0;
	(pc) =	sbr.rel @p0 .LBB2_8-.Ltmp4, $4  }
0x126: {  	v4 =	vadd.f32 v6, v4;
	v1 =	vadd.f32 v7, v1  }
0x127: {  	v5 =	vadd.f32 v62, v5;
	v0 =	vadd.f32 v8, v0  }
0x128: {  	v11 =	vadd.f32 v2, v4;
	v10 =	vadd.f32 v3, v1  }
0x129: {  	v9 =	vadd.f32 v9, v5;
	v8 =	vadd.f32 v63, v0  }
0x12a: {  	s17 =	smul.u32 $0xC800, s16  }
.Ltmp5:
0x12b: {  	_ = 	snop;
	(pc) =	sbr.rel .LBB2_2-.Ltmp5, $4  }
0x12c: {  	s17 =	sadd.s32 s17, s7  }
0x12d: {  	s17 =	sshrl.u32 s17, $0x3  }
0x12e: {  	s16 =	sadd.s32 $0x1, s16;
	s17 =	sadd.s32 s2, s17  }
0x12f: {  	[tilespmem:s10], [sflag:$0x2] =	stream.linear.gather [hbm4b:s17+s3], $0x6400, $0x38;
	[tilespmem:$0xC880] =	vst v63  }
.LBB2_9:
0x130: {  	_ =	sfence.sel $0x180000  }
0x131: {  	[bflag:$0x0] =	sbarrier.arrive $0xFFFF  }
0x132: {  	p0 =	sne.s32 s0, $0x0;
	_ =	strace $0x90000047  }
0x133: {  	s0 =	sadd.s32 @!p0 $0x100000, s1;
	[bflag:$0x2] =	sbarrier.arrive $0xFFFF  }
0x134: {  	[sflag:s0] =	ssyncadd.tile.s32 @!p0 $0x1;
	_ =	shalt  }
.Lfunc_end2:
_tile_overlayer_lowered:
.L_overlay_start_2:
0x135: {  	(tag) =	ssettag $0x2  }
0x136: {  	s0 =	rddreg [dreg:$0x0];
	s2 =	stileid.u32  }
0x137: {  	s1 =	rddreg [dreg:$0x1];
	p0 =	sne.s32 s2, $0x0  }
0x138: {  	s3 =	rddreg [dreg:$0x2];
	[bflag:$0x3] =	sbarrier.arrive $0xFFFF;
	s2 =	simm.s32 @!p0 $0x1C03  }
0x139: {  	[timem:s3], [sflag:s2] =	dma.local @!p0 [hbm:s0], s1  }
0x13a: {  	s0 =	simm.s32 @!p0 $0x3  }
0x13b: {  	_ =	swait.ge @!p0 [sflag:s0], s1  }
0x13c: {  	s1 =	ssub.s32 @!p0 $0x0, s1;
	[sflag:s0] =	ssyncset.done @!p0 $0x0  }
0x13d: {  	[sflag:s0] =	ssyncadd.s32 @!p0 s1  }
0x13e: {  	[bflag:$0x3] =	sbarrier.arrive $0xFFFF  }
0x13f: {  	_ =	shalt  }

</sc_bundles>
